<compile_context>
chip_gen: v7x
topology: tpu7x:2x2x1
jax: 0.10.2.dev20260603
libtpu: 0.0.44.dev20260713+nightly
codegen_flags: <defaults>
</compile_context>

<pallas_src>
import functools
import math

import jax
import jax.numpy as jnp
from jax.experimental import pallas as pl

_SCALES = (128.0, 256.0, 512.0)
_RATIOS = (0.5, 1.0, 2.0)
_NMS_T = 0.7
_TOPK = 2000
_MIN_SIZE = 16.0
_LANES = 128
_BCLIP = math.log(1000.0 / 16)


def _gen_anchors(img_h, img_w, feat_h, feat_w):
    stride_h = img_h // feat_h
    stride_w = img_w // feat_w
    base = []
    for s in _SCALES:
        for r in _RATIOS:
            w = s * math.sqrt(1.0 / r)
            h = s * math.sqrt(r)
            base.append([-w / 2.0, -h / 2.0, w / 2.0, h / 2.0])
    base = jnp.asarray(base, dtype=jnp.float32)
    shifts_x = jnp.arange(feat_w, dtype=jnp.float32) * stride_w + stride_w // 2
    shifts_y = jnp.arange(feat_h, dtype=jnp.float32) * stride_h + stride_h // 2
    sy, sx = jnp.meshgrid(shifts_y, shifts_x, indexing='ij')
    sx = sx.reshape(-1)
    sy = sy.reshape(-1)
    shifts = jnp.stack([sx, sy, sx, sy], axis=1)
    return (shifts[:, None, :] + base[None, :, :]).reshape(-1, 4)


def _propose_nms_kernel(n, rows, img_h, img_w,
                        dx_ref, dy_ref, dw_ref, dh_ref,
                        ax1_ref, ay1_ref, ax2_ref, ay2_ref,
                        x1_out, y1_out, x2_out, y2_out, alive_out):
    aw = ax2_ref[...] - ax1_ref[...]
    ah = ay2_ref[...] - ay1_ref[...]
    acx = ax1_ref[...] + 0.5 * aw
    acy = ay1_ref[...] + 0.5 * ah
    dw = jnp.minimum(dw_ref[...], _BCLIP)
    dh = jnp.minimum(dh_ref[...], _BCLIP)
    px = dx_ref[...] * aw + acx
    py = dy_ref[...] * ah + acy
    pw = jnp.exp(dw) * aw
    ph = jnp.exp(dh) * ah
    x1 = jnp.clip(px - 0.5 * pw, 0.0, float(img_w))
    y1 = jnp.clip(py - 0.5 * ph, 0.0, float(img_h))
    x2 = jnp.clip(px + 0.5 * pw, 0.0, float(img_w))
    y2 = jnp.clip(py + 0.5 * ph, 0.0, float(img_h))
    x1_out[...] = x1
    y1_out[...] = y1
    x2_out[...] = x2
    y2_out[...] = y2

    ws = x2 - x1
    hs = y2 - y1
    areas = ws * hs
    valid = (ws >= _MIN_SIZE) & (hs >= _MIN_SIZE)
    alive_out[...] = valid.astype(jnp.float32)

    row_iota = jax.lax.broadcasted_iota(jnp.int32, (rows, _LANES), 0)
    lane_iota = jax.lax.broadcasted_iota(jnp.int32, (rows, _LANES), 1)
    flat_idx = row_iota * _LANES + lane_iota
    lane1 = jax.lax.broadcasted_iota(jnp.int32, (1, _LANES), 1)
    t_areas = _NMS_T * areas

    band = 8
    for q in range(rows // band):
        s = q * band
        x1s, y1s, x2s, y2s = x1[s:], y1[s:], x2[s:], y2[s:]
        t_areas_s = t_areas[s:]
        flat_idx_s = flat_idx[s:]

        def body(i, _, s=s, x1s=x1s, y1s=y1s, x2s=x2s, y2s=y2s,
                 t_areas_s=t_areas_s, flat_idx_s=flat_idx_s):
            r = i // _LANES
            c = i - r * _LANES
            onehot = (lane1 == c).astype(jnp.float32)
            alive_i = jnp.sum(alive_out[pl.ds(r, 1), :] * onehot)

            @pl.when(alive_i > 0.0)
            def _():
                bx1 = jnp.sum(x1_out[pl.ds(r, 1), :] * onehot)
                by1 = jnp.sum(y1_out[pl.ds(r, 1), :] * onehot)
                bx2 = jnp.sum(x2_out[pl.ds(r, 1), :] * onehot)
                by2 = jnp.sum(y2_out[pl.ds(r, 1), :] * onehot)
                area_i = (bx2 - bx1) * (by2 - by1)
                xx1 = jnp.maximum(bx1, x1s)
                yy1 = jnp.maximum(by1, y1s)
                xx2 = jnp.minimum(bx2, x2s)
                yy2 = jnp.minimum(by2, y2s)
                inter = (jnp.clip(xx2 - xx1, 0.0, None)
                         * jnp.clip(yy2 - yy1, 0.0, None))
                sup = (inter * (1.0 + _NMS_T) > _NMS_T * area_i + t_areas_s) \
                    & (flat_idx_s > i)
                alive_out[s:, :] = (alive_out[s:, :]
                                    * (1.0 - sup.astype(jnp.float32)))

            return 0

        jax.lax.fori_loop(s * _LANES, (s + band) * _LANES, body, 0)


def kernel(image, feat, rpn_conv_w, rpn_conv_b, cls_w, cls_b, reg_w, reg_b):
    img_h, img_w = image.shape[-2], image.shape[-1]
    feat_h, feat_w = feat.shape[-2], feat.shape[-1]

    x = jax.lax.conv_general_dilated(
        feat, rpn_conv_w, window_strides=(1, 1), padding=[(1, 1), (1, 1)],
        dimension_numbers=('NCHW', 'OIHW', 'NCHW'))
    rpn_feat = jax.nn.relu(x + rpn_conv_b[None, :, None, None])
    cls = jax.lax.conv_general_dilated(
        rpn_feat, cls_w, window_strides=(1, 1), padding=[(0, 0), (0, 0)],
        dimension_numbers=('NCHW', 'OIHW', 'NCHW')) + cls_b[None, :, None, None]
    reg = jax.lax.conv_general_dilated(
        rpn_feat, reg_w, window_strides=(1, 1), padding=[(0, 0), (0, 0)],
        dimension_numbers=('NCHW', 'OIHW', 'NCHW')) + reg_b[None, :, None, None]

    b = cls.shape[0]
    a = cls.shape[1]
    anchors = _gen_anchors(img_h, img_w, feat_h, feat_w)
    cls_flat = jnp.transpose(cls, (0, 2, 3, 1)).reshape(-1)
    box_flat = jnp.transpose(
        reg.reshape(b, a, 4, feat_h, feat_w), (0, 3, 4, 1, 2)).reshape(-1, 4)
    scores = jax.nn.sigmoid(cls_flat)
    n = scores.shape[0]
    rows = n // _LANES
    top_scores, top_idx = jax.lax.top_k(scores, n)
    d = box_flat[top_idx]
    anc = anchors[top_idx]

    planes = [v.reshape(rows, _LANES) for v in
              (d[:, 0], d[:, 1], d[:, 2], d[:, 3],
               anc[:, 0], anc[:, 1], anc[:, 2], anc[:, 3])]
    plane = jax.ShapeDtypeStruct((rows, _LANES), jnp.float32)
    x1, y1, x2, y2, alive = pl.pallas_call(
        functools.partial(_propose_nms_kernel, n, rows, img_h, img_w),
        out_shape=[plane] * 5,
    )(*planes)

    props = jnp.stack(
        [x1.reshape(-1), y1.reshape(-1), x2.reshape(-1), y2.reshape(-1)], axis=1)
    kept = alive.reshape(-1) > 0.5
    rank = jnp.cumsum(kept.astype(jnp.int32)) - 1
    slot = jnp.where(kept & (rank < _TOPK), rank, _TOPK)
    out_props = jnp.zeros((_TOPK + 1, 4), jnp.float32).at[slot].set(props)[:_TOPK]
    out_scores = jnp.zeros((_TOPK + 1,), jnp.float32).at[slot].set(top_scores)[:_TOPK]
    return out_props, out_scores

# --- scband reference (transcript-rebuilt; emitter-appended) ---
"""Pipeline reference for scband-region-proposal-network-91268055040556 (READ-ONLY COPY).

The authoritative reference and input builder live on the scoring server;
editing this copy changes nothing except your own understanding.
"""

import jax, jax.numpy as jnp
import numpy as np
import math

SCALES = [128.0, 256.0, 512.0]
ASPECT_RATIOS = [0.5, 1.0, 2.0]
RPN_NMS_THRESHOLD = 0.7
RPN_PRENMS_TOPK = 12000
RPN_TOPK = 2000
MIN_SIZE = 16.0
IN_CHANNELS = 256
IMG_H = 512
IMG_W = 512
FEAT_H = 32
FEAT_W = 32


def conv2d(x, w, b, pad):
    out = jax.lax.conv_general_dilated(x, w, window_strides=(1, 1), padding=[(pad, pad), (pad, pad)], dimension_numbers=('NCHW', 'OIHW', 'NCHW'))
    return out + b[None, :, None, None]


def generate_anchors(img_shape, feat_shape):
    feat_h, feat_w = feat_shape[-2], feat_shape[-1]
    img_h, img_w = img_shape[-2], img_shape[-1]
    stride_h = img_h // feat_h
    stride_w = img_w // feat_w
    base = []
    for s in SCALES:
        for r in ASPECT_RATIOS:
            w = s * math.sqrt(1.0 / r)
            h = s * math.sqrt(r)
            base.append([-w / 2.0, -h / 2.0, w / 2.0, h / 2.0])
    base = jnp.asarray(base, dtype=jnp.float32)
    shifts_x = jnp.arange(feat_w, dtype=jnp.float32) * stride_w + stride_w // 2
    shifts_y = jnp.arange(feat_h, dtype=jnp.float32) * stride_h + stride_h // 2
    sy, sx = jnp.meshgrid(shifts_y, shifts_x, indexing='ij')
    sx = sx.reshape(-1)
    sy = sy.reshape(-1)
    shifts = jnp.stack([sx, sy, sx, sy], axis=1)
    anchors = (shifts[:, None, :] + base[None, :, :]).reshape(-1, 4)
    return anchors


def apply_regression(box_pred, anchors):
    box_pred = box_pred.reshape(box_pred.shape[0], -1, 4)
    w = anchors[:, 2] - anchors[:, 0]
    h = anchors[:, 3] - anchors[:, 1]
    cx = anchors[:, 0] + 0.5 * w
    cy = anchors[:, 1] + 0.5 * h
    dx = box_pred[..., 0]
    dy = box_pred[..., 1]
    dw = jnp.minimum(box_pred[..., 2], math.log(1000.0 / 16))
    dh = jnp.minimum(box_pred[..., 3], math.log(1000.0 / 16))
    px = dx * w[:, None] + cx[:, None]
    py = dy * h[:, None] + cy[:, None]
    pw = jnp.exp(dw) * w[:, None]
    ph = jnp.exp(dh) * h[:, None]
    return jnp.stack([px - 0.5 * pw, py - 0.5 * ph, px + 0.5 * pw, py + 0.5 * ph], axis=2)


def clamp_boxes(boxes, img_shape):
    h, w = img_shape[-2], img_shape[-1]
    x1 = jnp.clip(boxes[..., 0], 0, w)
    y1 = jnp.clip(boxes[..., 1], 0, h)
    x2 = jnp.clip(boxes[..., 2], 0, w)
    y2 = jnp.clip(boxes[..., 3], 0, h)
    return jnp.stack([x1, y1, x2, y2], axis=-1)


def nms_np(boxes, scores, thresh):
    boxes = np.asarray(boxes)
    scores = np.asarray(scores)
    x1, y1, x2, y2 = boxes[:, 0], boxes[:, 1], boxes[:, 2], boxes[:, 3]
    areas = (x2 - x1) * (y2 - y1)
    order = np.argsort(-scores, kind='stable')
    keep = []
    while order.size > 0:
        i = order[0]
        keep.append(int(i))
        if order.size == 1:
            break
        xx1 = np.maximum(x1[i], x1[order[1:]])
        yy1 = np.maximum(y1[i], y1[order[1:]])
        xx2 = np.minimum(x2[i], x2[order[1:]])
        yy2 = np.minimum(y2[i], y2[order[1:]])
        inter = np.clip(xx2 - xx1, 0, None) * np.clip(yy2 - yy1, 0, None)
        iou = inter / (areas[i] + areas[order[1:]] - inter)
        order = order[1:][iou <= thresh]
    return np.asarray(keep, dtype=np.int64)


def nms_masked(boxes, valid, thresh):
    n = boxes.shape[0]
    areas = (boxes[:, 2] - boxes[:, 0]) * (boxes[:, 3] - boxes[:, 1])
    idx = jnp.arange(n)

    def body(i, alive):
        xx1 = jnp.maximum(boxes[i, 0], boxes[:, 0])
        yy1 = jnp.maximum(boxes[i, 1], boxes[:, 1])
        xx2 = jnp.minimum(boxes[i, 2], boxes[:, 2])
        yy2 = jnp.minimum(boxes[i, 3], boxes[:, 3])
        inter = jnp.clip(xx2 - xx1, 0, None) * jnp.clip(yy2 - yy1, 0, None)
        iou = inter / (areas[i] + areas - inter)
        suppress = (iou > thresh) & (idx > i)
        return jnp.where(alive[i], alive & ~suppress, alive)

    return jax.lax.fori_loop(0, n, body, valid)


def setup_inputs(seed: int = 0):
    key = jax.random.key(seed)
    ks = jax.random.split(key, 6)
    A = len(SCALES) * len(ASPECT_RATIOS)
    image = jax.random.uniform(ks[0], (1, 3, IMG_H, IMG_W), dtype=jnp.float32)
    feat = jax.random.normal(ks[1], (1, IN_CHANNELS, FEAT_H, FEAT_W), dtype=jnp.float32)
    rpn_conv_w = 0.01 * jax.random.normal(ks[2], (IN_CHANNELS, IN_CHANNELS, 3, 3), dtype=jnp.float32)
    rpn_conv_b = jnp.zeros((IN_CHANNELS,), dtype=jnp.float32)
    cls_w = 0.01 * jax.random.normal(ks[3], (A, IN_CHANNELS, 1, 1), dtype=jnp.float32)
    cls_b = jnp.zeros((A,), dtype=jnp.float32)
    reg_w = 0.01 * jax.random.normal(ks[4], (A * 4, IN_CHANNELS, 1, 1), dtype=jnp.float32)
    reg_b = jnp.zeros((A * 4,), dtype=jnp.float32)
    return {'image': image, 'feat': feat, 'rpn_conv_w': rpn_conv_w, 'rpn_conv_b': rpn_conv_b, 'cls_w': cls_w, 'cls_b': cls_b, 'reg_w': reg_w, 'reg_b': reg_b}


def reference(image, feat, rpn_conv_w, rpn_conv_b, cls_w, cls_b, reg_w, reg_b):
    rpn_feat = jax.nn.relu(conv2d(feat, rpn_conv_w, rpn_conv_b, 1))
    cls_scores = conv2d(rpn_feat, cls_w, cls_b, 0)
    box_pred = conv2d(rpn_feat, reg_w, reg_b, 0)
    anchors = generate_anchors(image.shape, feat.shape)
    B = cls_scores.shape[0]
    A = cls_scores.shape[1]
    H = rpn_feat.shape[-2]
    W = rpn_feat.shape[-1]
    cls_flat = jnp.transpose(cls_scores, (0, 2, 3, 1)).reshape(-1)
    box_flat = jnp.transpose(box_pred.reshape(B, A, 4, H, W), (0, 3, 4, 1, 2)).reshape(-1, 4)
    proposals = apply_regression(box_flat.reshape(-1, 1, 4), anchors).reshape(-1, 4)
    scores = jax.nn.sigmoid(cls_flat)
    prenms = min(RPN_PRENMS_TOPK, int(scores.shape[0]))
    top_scores, top_idx = jax.lax.top_k(scores, prenms)
    props = clamp_boxes(proposals[top_idx], image.shape)
    ws = props[:, 2] - props[:, 0]
    hs = props[:, 3] - props[:, 1]
    valid = (ws >= MIN_SIZE) & (hs >= MIN_SIZE)
    kept = nms_masked(props, valid, RPN_NMS_THRESHOLD)
    rank = jnp.cumsum(kept.astype(jnp.int32)) - 1
    slot = jnp.where(kept & (rank < RPN_TOPK), rank, RPN_TOPK)
    out_props = jnp.zeros((RPN_TOPK + 1, 4), dtype=jnp.float32).at[slot].set(props)[:RPN_TOPK]
    out_scores = jnp.zeros((RPN_TOPK + 1,), dtype=jnp.float32).at[slot].set(top_scores)[:RPN_TOPK]
    return out_props, out_scores

if __name__ == "__main__":
    import jax
    _d = setup_inputs()
    print(jax.jit(kernel)(*tuple(_d.values())))

</pallas_src>

<mosaic_0001>
module attributes {stable_mosaic.version = 14 : i64} {
  func.func @_propose_nms_kernel(%arg0: memref<72x128xf32, #tpu.memory_space<vmem>>, %arg1: memref<72x128xf32, #tpu.memory_space<vmem>>, %arg2: memref<72x128xf32, #tpu.memory_space<vmem>>, %arg3: memref<72x128xf32, #tpu.memory_space<vmem>>, %arg4: memref<72x128xf32, #tpu.memory_space<vmem>>, %arg5: memref<72x128xf32, #tpu.memory_space<vmem>>, %arg6: memref<72x128xf32, #tpu.memory_space<vmem>>, %arg7: memref<72x128xf32, #tpu.memory_space<vmem>>, %arg8: memref<72x128xf32, #tpu.memory_space<vmem>>, %arg9: memref<72x128xf32, #tpu.memory_space<vmem>>, %arg10: memref<72x128xf32, #tpu.memory_space<vmem>>, %arg11: memref<72x128xf32, #tpu.memory_space<vmem>>, %arg12: memref<72x128xf32, #tpu.memory_space<vmem>>) attributes {dimension_semantics = [], scalar_prefetch = 0 : i64, scratch_operands = 0 : i64, tpu.core_type = #tpu.core_type<tc>} {
    %get3A = arith.constant 0 : index
    %get3A_0 = arith.constant 0 : index
    %get3A_1 = vector.load %arg6[%get3A, %get3A_0] : memref<72x128xf32, #tpu.memory_space<vmem>>, vector<72x128xf32>
    %get3A_2 = arith.constant 0 : index
    %get3A_3 = arith.constant 0 : index
    %get3A_4 = vector.load %arg4[%get3A_2, %get3A_3] : memref<72x128xf32, #tpu.memory_space<vmem>>, vector<72x128xf32>
    %sub3A = arith.subf %get3A_1, %get3A_4 : vector<72x128xf32>
    %get3A_5 = arith.constant 0 : index
    %get3A_6 = arith.constant 0 : index
    %get3A_7 = vector.load %arg7[%get3A_5, %get3A_6] : memref<72x128xf32, #tpu.memory_space<vmem>>, vector<72x128xf32>
    %get3A_8 = arith.constant 0 : index
    %get3A_9 = arith.constant 0 : index
    %get3A_10 = vector.load %arg5[%get3A_8, %get3A_9] : memref<72x128xf32, #tpu.memory_space<vmem>>, vector<72x128xf32>
    %sub3A_11 = arith.subf %get3A_7, %get3A_10 : vector<72x128xf32>
    %get3A_12 = arith.constant 0 : index
    %get3A_13 = arith.constant 0 : index
    %get3A_14 = vector.load %arg4[%get3A_12, %get3A_13] : memref<72x128xf32, #tpu.memory_space<vmem>>, vector<72x128xf32>
    %mul3A = arith.constant 5.000000e-01 : f32
    %mul3A_15 = vector.broadcast %mul3A : f32 to vector<72x128xf32>
    %mul3A_16 = arith.mulf %mul3A_15, %sub3A : vector<72x128xf32>
    %add3A = arith.addf %get3A_14, %mul3A_16 : vector<72x128xf32>
    %get3A_17 = arith.constant 0 : index
    %get3A_18 = arith.constant 0 : index
    %get3A_19 = vector.load %arg5[%get3A_17, %get3A_18] : memref<72x128xf32, #tpu.memory_space<vmem>>, vector<72x128xf32>
    %mul3A_20 = arith.constant 5.000000e-01 : f32
    %mul3A_21 = vector.broadcast %mul3A_20 : f32 to vector<72x128xf32>
    %mul3A_22 = arith.mulf %mul3A_21, %sub3A_11 : vector<72x128xf32>
    %add3A_23 = arith.addf %get3A_19, %mul3A_22 : vector<72x128xf32>
    %get3A_24 = arith.constant 0 : index
    %get3A_25 = arith.constant 0 : index
    %get3A_26 = vector.load %arg2[%get3A_24, %get3A_25] : memref<72x128xf32, #tpu.memory_space<vmem>>, vector<72x128xf32>
    %min3A = arith.constant 4.13516665 : f32
    %min3A_27 = vector.broadcast %min3A : f32 to vector<72x128xf32>
    %min3A_28 = arith.minimumf %get3A_26, %min3A_27 : vector<72x128xf32>
    %get3A_29 = arith.constant 0 : index
    %get3A_30 = arith.constant 0 : index
    %get3A_31 = vector.load %arg3[%get3A_29, %get3A_30] : memref<72x128xf32, #tpu.memory_space<vmem>>, vector<72x128xf32>
    %min3A_32 = arith.constant 4.13516665 : f32
    %min3A_33 = vector.broadcast %min3A_32 : f32 to vector<72x128xf32>
    %min3A_34 = arith.minimumf %get3A_31, %min3A_33 : vector<72x128xf32>
    %get3A_35 = arith.constant 0 : index
    %get3A_36 = arith.constant 0 : index
    %get3A_37 = vector.load %arg0[%get3A_35, %get3A_36] : memref<72x128xf32, #tpu.memory_space<vmem>>, vector<72x128xf32>
    %mul3A_38 = arith.mulf %get3A_37, %sub3A : vector<72x128xf32>
    %add3A_39 = arith.addf %mul3A_38, %add3A : vector<72x128xf32>
    %get3A_40 = arith.constant 0 : index
    %get3A_41 = arith.constant 0 : index
    %get3A_42 = vector.load %arg1[%get3A_40, %get3A_41] : memref<72x128xf32, #tpu.memory_space<vmem>>, vector<72x128xf32>
    %mul3A_43 = arith.mulf %get3A_42, %sub3A_11 : vector<72x128xf32>
    %add3A_44 = arith.addf %mul3A_43, %add3A_23 : vector<72x128xf32>
    %exp3A = math.exp %min3A_28 : vector<72x128xf32>
    %mul3A_45 = arith.mulf %exp3A, %sub3A : vector<72x128xf32>
    %exp3A_46 = math.exp %min3A_34 : vector<72x128xf32>
    %mul3A_47 = arith.mulf %exp3A_46, %sub3A_11 : vector<72x128xf32>
    %mul3A_48 = arith.constant 5.000000e-01 : f32
    %mul3A_49 = vector.broadcast %mul3A_48 : f32 to vector<72x128xf32>
    %mul3A_50 = arith.mulf %mul3A_49, %mul3A_45 : vector<72x128xf32>
    %sub3A_51 = arith.subf %add3A_39, %mul3A_50 : vector<72x128xf32>
    %jit3A = arith.constant 0.000000e+00 : f32
    %jit3A_52 = arith.constant 5.120000e+02 : f32
    %max3A = vector.broadcast %jit3A : f32 to vector<72x128xf32>
    %max3A_53 = arith.maximumf %max3A, %sub3A_51 : vector<72x128xf32>
    %min3A_54 = vector.broadcast %jit3A_52 : f32 to vector<72x128xf32>
    %min3A_55 = arith.minimumf %min3A_54, %max3A_53 : vector<72x128xf32>
    %mul3A_56 = arith.constant 5.000000e-01 : f32
    %mul3A_57 = vector.broadcast %mul3A_56 : f32 to vector<72x128xf32>
    %mul3A_58 = arith.mulf %mul3A_57, %mul3A_47 : vector<72x128xf32>
    %sub3A_59 = arith.subf %add3A_44, %mul3A_58 : vector<72x128xf32>
    %jit3A_60 = arith.constant 0.000000e+00 : f32
    %jit3A_61 = arith.constant 5.120000e+02 : f32
    %max3A_62 = vector.broadcast %jit3A_60 : f32 to vector<72x128xf32>
    %max3A_63 = arith.maximumf %max3A_62, %sub3A_59 : vector<72x128xf32>
    %min3A_64 = vector.broadcast %jit3A_61 : f32 to vector<72x128xf32>
    %min3A_65 = arith.minimumf %min3A_64, %max3A_63 : vector<72x128xf32>
    %mul3A_66 = arith.constant 5.000000e-01 : f32
    %mul3A_67 = vector.broadcast %mul3A_66 : f32 to vector<72x128xf32>
    %mul3A_68 = arith.mulf %mul3A_67, %mul3A_45 : vector<72x128xf32>
    %add3A_69 = arith.addf %add3A_39, %mul3A_68 : vector<72x128xf32>
    %jit3A_70 = arith.constant 0.000000e+00 : f32
    %jit3A_71 = arith.constant 5.120000e+02 : f32
    %max3A_72 = vector.broadcast %jit3A_70 : f32 to vector<72x128xf32>
    %max3A_73 = arith.maximumf %max3A_72, %add3A_69 : vector<72x128xf32>
    %min3A_74 = vector.broadcast %jit3A_71 : f32 to vector<72x128xf32>
    %min3A_75 = arith.minimumf %min3A_74, %max3A_73 : vector<72x128xf32>
    %mul3A_76 = arith.constant 5.000000e-01 : f32
    %mul3A_77 = vector.broadcast %mul3A_76 : f32 to vector<72x128xf32>
    %mul3A_78 = arith.mulf %mul3A_77, %mul3A_47 : vector<72x128xf32>
    %add3A_79 = arith.addf %add3A_44, %mul3A_78 : vector<72x128xf32>
    %jit3A_80 = arith.constant 0.000000e+00 : f32
    %jit3A_81 = arith.constant 5.120000e+02 : f32
    %max3A_82 = vector.broadcast %jit3A_80 : f32 to vector<72x128xf32>
    %max3A_83 = arith.maximumf %max3A_82, %add3A_79 : vector<72x128xf32>
    %min3A_84 = vector.broadcast %jit3A_81 : f32 to vector<72x128xf32>
    %min3A_85 = arith.minimumf %min3A_84, %max3A_83 : vector<72x128xf32>
    %swap3A = arith.constant 0 : index
    %swap3A_86 = arith.constant 0 : index
    %swap3A_87 = vector.load %arg8[%swap3A, %swap3A_86] : memref<72x128xf32, #tpu.memory_space<vmem>>, vector<72x128xf32>
    tpu.vector_store %arg8[%swap3A, %swap3A_86], %min3A_55 {strides = array<i32>} : memref<72x128xf32, #tpu.memory_space<vmem>>, vector<72x128xf32>,
    %swap3A_88 = arith.constant 0 : index
    %swap3A_89 = arith.constant 0 : index
    %swap3A_90 = vector.load %arg9[%swap3A_88, %swap3A_89] : memref<72x128xf32, #tpu.memory_space<vmem>>, vector<72x128xf32>
    tpu.vector_store %arg9[%swap3A_88, %swap3A_89], %min3A_65 {strides = array<i32>} : memref<72x128xf32, #tpu.memory_space<vmem>>, vector<72x128xf32>,
    %swap3A_91 = arith.constant 0 : index
    %swap3A_92 = arith.constant 0 : index
    %swap3A_93 = vector.load %arg10[%swap3A_91, %swap3A_92] : memref<72x128xf32, #tpu.memory_space<vmem>>, vector<72x128xf32>
    tpu.vector_store %arg10[%swap3A_91, %swap3A_92], %min3A_75 {strides = array<i32>} : memref<72x128xf32, #tpu.memory_space<vmem>>, vector<72x128xf32>,
    %swap3A_94 = arith.constant 0 : index
    %swap3A_95 = arith.constant 0 : index
    %swap3A_96 = vector.load %arg11[%swap3A_94, %swap3A_95] : memref<72x128xf32, #tpu.memory_space<vmem>>, vector<72x128xf32>
    tpu.vector_store %arg11[%swap3A_94, %swap3A_95], %min3A_85 {strides = array<i32>} : memref<72x128xf32, #tpu.memory_space<vmem>>, vector<72x128xf32>,
    %sub3A_97 = arith.subf %min3A_75, %min3A_55 : vector<72x128xf32>
    %sub3A_98 = arith.subf %min3A_85, %min3A_65 : vector<72x128xf32>
    %mul3A_99 = arith.mulf %sub3A_97, %sub3A_98 : vector<72x128xf32>
    %ge3A = arith.constant 1.600000e+01 : f32
    %ge3A_100 = vector.broadcast %ge3A : f32 to vector<72x128xf32>
    %ge3A_101 = arith.cmpf oge, %sub3A_97, %ge3A_100 : vector<72x128xf32>
    %ge3A_102 = arith.constant 1.600000e+01 : f32
    %ge3A_103 = vector.broadcast %ge3A_102 : f32 to vector<72x128xf32>
    %ge3A_104 = arith.cmpf oge, %sub3A_98, %ge3A_103 : vector<72x128xf32>
    %and3A = arith.andi %ge3A_101, %ge3A_104 : vector<72x128xi1>
    %convert_element_type3A = arith.extui %and3A : vector<72x128xi1> to vector<72x128xi32>
    %convert_element_type3A_105 = arith.sitofp %convert_element_type3A : vector<72x128xi32> to vector<72x128xf32>
    %swap3A_106 = arith.constant 0 : index
    %swap3A_107 = arith.constant 0 : index
    %swap3A_108 = vector.load %arg12[%swap3A_106, %swap3A_107] : memref<72x128xf32, #tpu.memory_space<vmem>>, vector<72x128xf32>
    tpu.vector_store %arg12[%swap3A_106, %swap3A_107], %convert_element_type3A_105 {strides = array<i32>} : memref<72x128xf32, #tpu.memory_space<vmem>>, vector<72x128xf32>,
    %iota3A = tpu.iota {dimensions = array<i32: 0>} : vector<72x128xi32>
    %iota3A_109 = tpu.iota {dimensions = array<i32: 1>} : vector<72x128xi32>
    %mul3A_110 = arith.constant 128 : i32
    %mul3A_111 = vector.broadcast %mul3A_110 : i32 to vector<72x128xi32>
    %mul3A_112 = arith.muli %iota3A, %mul3A_111 : vector<72x128xi32>
    %add3A_113 = arith.addi %mul3A_112, %iota3A_109 : vector<72x128xi32>
    %iota3A_114 = tpu.iota {dimensions = array<i32: 1>} : vector<1x128xi32>
    %mul3A_115 = arith.constant 0.699999988 : f32
    %mul3A_116 = vector.broadcast %mul3A_115 : f32 to vector<72x128xf32>
    %mul3A_117 = arith.mulf %mul3A_116, %mul3A_99 : vector<72x128xf32>
    %scan3A = arith.constant 0 : i32
    %scan3A_118 = arith.constant 1024 : i32
    %scan3A_119 = arith.addi %scan3A, %scan3A_118 : i32
    %scan3A_120 = arith.constant 1 : i32
    scf.for %scan3A_209 = %scan3A to %scan3A_119 step %scan3A_120  : i32 {
      %jit3A_210 = arith.constant 128 : i32
      %div3A = arith.divsi %scan3A_209, %jit3A_210 : i32
      %sign3A = arith.constant 0 : i32
      %sign3A_211 = arith.cmpi sgt, %scan3A_209, %sign3A : i32
      %sign3A_212 = arith.extui %sign3A_211 : i1 to i32
      %sign3A_213 = arith.constant 0 : i32
      %sign3A_214 = arith.cmpi slt, %scan3A_209, %sign3A_213 : i32
      %sign3A_215 = arith.extui %sign3A_214 : i1 to i32
      %sign3A_216 = arith.subi %sign3A_212, %sign3A_215 : i32
      %sign3A_217 = arith.constant 0 : i32
      %sign3A_218 = arith.cmpi sgt, %jit3A_210, %sign3A_217 : i32
      %sign3A_219 = arith.extui %sign3A_218 : i1 to i32
      %sign3A_220 = arith.constant 0 : i32
      %sign3A_221 = arith.cmpi slt, %jit3A_210, %sign3A_220 : i32
      %sign3A_222 = arith.extui %sign3A_221 : i1 to i32
      %sign3A_223 = arith.subi %sign3A_219, %sign3A_222 : i32
      %ne3A = arith.cmpi ne, %sign3A_216, %sign3A_223 : i32
      %rem3A = arith.remsi %scan3A_209, %jit3A_210 : i32
      %ne3A_224 = arith.constant 0 : i32
      %ne3A_225 = arith.cmpi ne, %rem3A, %ne3A_224 : i32
      %and3A_226 = arith.andi %ne3A, %ne3A_225 : i1
      %sub3A_227 = arith.constant 1 : i32
      %sub3A_228 = arith.subi %div3A, %sub3A_227 : i32
      %select_n3A = arith.select %and3A_226, %sub3A_228, %div3A : i32
      %mul3A_229 = arith.constant 128 : i32
      %mul3A_230 = arith.muli %select_n3A, %mul3A_229 : i32
      %sub3A_231 = arith.subi %scan3A_209, %mul3A_230 : i32
      %eq3A = vector.broadcast %sub3A_231 : i32 to vector<1x128xi32>
      %eq3A_232 = arith.cmpi eq, %iota3A_114, %eq3A : vector<1x128xi32>
      %convert_element_type3A_233 = arith.extui %eq3A_232 : vector<1x128xi1> to vector<1x128xi32>
      %convert_element_type3A_234 = arith.sitofp %convert_element_type3A_233 : vector<1x128xi32> to vector<1x128xf32>
      %get3A_235 = arith.index_cast %select_n3A : i32 to index
      %get3A_236 = arith.constant 0 : index
      %get3A_237 = vector.load %arg12[%get3A_235, %get3A_236] : memref<72x128xf32, #tpu.memory_space<vmem>>, vector<1x128xf32>
      %mul3A_238 = arith.mulf %get3A_237, %convert_element_type3A_234 : vector<1x128xf32>
      %reduce_sum3A = vector.shape_cast %mul3A_238 : vector<1x128xf32> to vector<1x1x128xf32>
      %reduce_sum3A_239 = arith.constant dense<0.000000e+00> : vector<1xf32>
      %reduce_sum3A_240 = vector.multi_reduction <add>, %reduce_sum3A, %reduce_sum3A_239 [1, 2] : vector<1x1x128xf32> to vector<1xf32>
      %reduce_sum3A_241 = vector.shape_cast %reduce_sum3A_240 : vector<1xf32> to vector<1x1x1xf32>
      %reduce_sum3A_242 = vector.extract %reduce_sum3A_241[0, 0, 0] : f32 from vector<1x1x1xf32>
      %gt3A = arith.constant 0.000000e+00 : f32
      %gt3A_243 = arith.cmpf ogt, %reduce_sum3A_242, %gt3A : f32
      %convert_element_type3A_244 = arith.extui %gt3A_243 : i1 to i32
      %cond3A = arith.constant 0 : i32
      %cond3A_245 = arith.cmpi ne, %convert_element_type3A_244, %cond3A : i32
      scf.if %cond3A_245 {
        %get3A_246 = arith.index_cast %select_n3A : i32 to index
        %get3A_247 = arith.constant 0 : index
        %get3A_248 = vector.load %arg8[%get3A_246, %get3A_247] : memref<72x128xf32, #tpu.memory_space<vmem>>, vector<1x128xf32>
        %mul3A_249 = arith.mulf %get3A_248, %convert_element_type3A_234 : vector<1x128xf32>
        %reduce_sum3A_250 = vector.shape_cast %mul3A_249 : vector<1x128xf32> to vector<1x1x128xf32>
        %reduce_sum3A_251 = arith.constant dense<0.000000e+00> : vector<1xf32>
        %reduce_sum3A_252 = vector.multi_reduction <add>, %reduce_sum3A_250, %reduce_sum3A_251 [1, 2] : vector<1x1x128xf32> to vector<1xf32>
        %reduce_sum3A_253 = vector.shape_cast %reduce_sum3A_252 : vector<1xf32> to vector<1x1x1xf32>
        %reduce_sum3A_254 = vector.extract %reduce_sum3A_253[0, 0, 0] : f32 from vector<1x1x1xf32>
        %get3A_255 = arith.index_cast %select_n3A : i32 to index
        %get3A_256 = arith.constant 0 : index
        %get3A_257 = vector.load %arg9[%get3A_255, %get3A_256] : memref<72x128xf32, #tpu.memory_space<vmem>>, vector<1x128xf32>
        %mul3A_258 = arith.mulf %get3A_257, %convert_element_type3A_234 : vector<1x128xf32>
        %reduce_sum3A_259 = vector.shape_cast %mul3A_258 : vector<1x128xf32> to vector<1x1x128xf32>
        %reduce_sum3A_260 = arith.constant dense<0.000000e+00> : vector<1xf32>
        %reduce_sum3A_261 = vector.multi_reduction <add>, %reduce_sum3A_259, %reduce_sum3A_260 [1, 2] : vector<1x1x128xf32> to vector<1xf32>
        %reduce_sum3A_262 = vector.shape_cast %reduce_sum3A_261 : vector<1xf32> to vector<1x1x1xf32>
        %reduce_sum3A_263 = vector.extract %reduce_sum3A_262[0, 0, 0] : f32 from vector<1x1x1xf32>
        %get3A_264 = arith.index_cast %select_n3A : i32 to index
        %get3A_265 = arith.constant 0 : index
        %get3A_266 = vector.load %arg10[%get3A_264, %get3A_265] : memref<72x128xf32, #tpu.memory_space<vmem>>, vector<1x128xf32>
        %mul3A_267 = arith.mulf %get3A_266, %convert_element_type3A_234 : vector<1x128xf32>
        %reduce_sum3A_268 = vector.shape_cast %mul3A_267 : vector<1x128xf32> to vector<1x1x128xf32>
        %reduce_sum3A_269 = arith.constant dense<0.000000e+00> : vector<1xf32>
        %reduce_sum3A_270 = vector.multi_reduction <add>, %reduce_sum3A_268, %reduce_sum3A_269 [1, 2] : vector<1x1x128xf32> to vector<1xf32>
        %reduce_sum3A_271 = vector.shape_cast %reduce_sum3A_270 : vector<1xf32> to vector<1x1x1xf32>
        %reduce_sum3A_272 = vector.extract %reduce_sum3A_271[0, 0, 0] : f32 from vector<1x1x1xf32>
        %get3A_273 = arith.index_cast %select_n3A : i32 to index
        %get3A_274 = arith.constant 0 : index
        %get3A_275 = vector.load %arg11[%get3A_273, %get3A_274] : memref<72x128xf32, #tpu.memory_space<vmem>>, vector<1x128xf32>
        %mul3A_276 = arith.mulf %get3A_275, %convert_element_type3A_234 : vector<1x128xf32>
        %reduce_sum3A_277 = vector.shape_cast %mul3A_276 : vector<1x128xf32> to vector<1x1x128xf32>
        %reduce_sum3A_278 = arith.constant dense<0.000000e+00> : vector<1xf32>
        %reduce_sum3A_279 = vector.multi_reduction <add>, %reduce_sum3A_277, %reduce_sum3A_278 [1, 2] : vector<1x1x128xf32> to vector<1xf32>
        %reduce_sum3A_280 = vector.shape_cast %reduce_sum3A_279 : vector<1xf32> to vector<1x1x1xf32>
        %reduce_sum3A_281 = vector.extract %reduce_sum3A_280[0, 0, 0] : f32 from vector<1x1x1xf32>
        %sub3A_282 = arith.subf %reduce_sum3A_272, %reduce_sum3A_254 : f32
        %sub3A_283 = arith.subf %reduce_sum3A_281, %reduce_sum3A_263 : f32
        %mul3A_284 = arith.mulf %sub3A_282, %sub3A_283 : f32
        %max3A_285 = vector.broadcast %reduce_sum3A_254 : f32 to vector<72x128xf32>
        %max3A_286 = arith.maximumf %max3A_285, %min3A_55 : vector<72x128xf32>
        %max3A_287 = vector.broadcast %reduce_sum3A_263 : f32 to vector<72x128xf32>
        %max3A_288 = arith.maximumf %max3A_287, %min3A_65 : vector<72x128xf32>
        %min3A_289 = vector.broadcast %reduce_sum3A_272 : f32 to vector<72x128xf32>
        %min3A_290 = arith.minimumf %min3A_289, %min3A_75 : vector<72x128xf32>
        %min3A_291 = vector.broadcast %reduce_sum3A_281 : f32 to vector<72x128xf32>
        %min3A_292 = arith.minimumf %min3A_291, %min3A_85 : vector<72x128xf32>
        %sub3A_293 = arith.subf %min3A_290, %max3A_286 : vector<72x128xf32>
        %jit3A_294 = arith.constant 0.000000e+00 : f32
        %max3A_295 = vector.broadcast %jit3A_294 : f32 to vector<72x128xf32>
        %max3A_296 = arith.maximumf %max3A_295, %sub3A_293 : vector<72x128xf32>
        %sub3A_297 = arith.subf %min3A_292, %max3A_288 : vector<72x128xf32>
        %jit3A_298 = arith.constant 0.000000e+00 : f32
        %max3A_299 = vector.broadcast %jit3A_298 : f32 to vector<72x128xf32>
        %max3A_300 = arith.maximumf %max3A_299, %sub3A_297 : vector<72x128xf32>
        %mul3A_301 = arith.mulf %max3A_296, %max3A_300 : vector<72x128xf32>
        %mul3A_302 = arith.constant 1.700000e+00 : f32
        %mul3A_303 = vector.broadcast %mul3A_302 : f32 to vector<72x128xf32>
        %mul3A_304 = arith.mulf %mul3A_301, %mul3A_303 : vector<72x128xf32>
        %mul3A_305 = arith.constant 0.699999988 : f32
        %mul3A_306 = arith.mulf %mul3A_305, %mul3A_284 : f32
        %add3A_307 = vector.broadcast %mul3A_306 : f32 to vector<72x128xf32>
        %add3A_308 = arith.addf %add3A_307, %mul3A_117 : vector<72x128xf32>
        %gt3A_309 = arith.cmpf ogt, %mul3A_304, %add3A_308 : vector<72x128xf32>
        %gt3A_310 = vector.broadcast %scan3A_209 : i32 to vector<72x128xi32>
        %gt3A_311 = arith.cmpi sgt, %add3A_113, %gt3A_310 : vector<72x128xi32>
        %and3A_312 = arith.andi %gt3A_309, %gt3A_311 : vector<72x128xi1>
        %get3A_313 = arith.constant 0 : index
        %get3A_314 = arith.constant 0 : index
        %get3A_315 = vector.load %arg12[%get3A_313, %get3A_314] : memref<72x128xf32, #tpu.memory_space<vmem>>, vector<72x128xf32>
        %convert_element_type3A_316 = arith.extui %and3A_312 : vector<72x128xi1> to vector<72x128xi32>
        %convert_element_type3A_317 = arith.sitofp %convert_element_type3A_316 : vector<72x128xi32> to vector<72x128xf32>
        %sub3A_318 = arith.constant 1.000000e+00 : f32
        %sub3A_319 = vector.broadcast %sub3A_318 : f32 to vector<72x128xf32>
        %sub3A_320 = arith.subf %sub3A_319, %convert_element_type3A_317 : vector<72x128xf32>
        %mul3A_321 = arith.mulf %get3A_315, %sub3A_320 : vector<72x128xf32>
        %swap3A_322 = arith.constant 0 : index
        %swap3A_323 = arith.constant 0 : index
        %swap3A_324 = vector.load %arg12[%swap3A_322, %swap3A_323] : memref<72x128xf32, #tpu.memory_space<vmem>>, vector<72x128xf32>
        tpu.vector_store %arg12[%swap3A_322, %swap3A_323], %mul3A_321 {strides = array<i32>} : memref<72x128xf32, #tpu.memory_space<vmem>>, vector<72x128xf32>,
      } else {
      }
    }
    %scan3A_121 = arith.constant 1024 : i32
    %slice3A = vector.extract_strided_slice %min3A_55 {offsets = [8, 0], sizes = [64, 128], strides = [1, 1]} : vector<72x128xf32> to vector<64x128xf32>
    %slice3A_122 = vector.extract_strided_slice %min3A_65 {offsets = [8, 0], sizes = [64, 128], strides = [1, 1]} : vector<72x128xf32> to vector<64x128xf32>
    %slice3A_123 = vector.extract_strided_slice %min3A_75 {offsets = [8, 0], sizes = [64, 128], strides = [1, 1]} : vector<72x128xf32> to vector<64x128xf32>
    %slice3A_124 = vector.extract_strided_slice %min3A_85 {offsets = [8, 0], sizes = [64, 128], strides = [1, 1]} : vector<72x128xf32> to vector<64x128xf32>
    %slice3A_125 = vector.extract_strided_slice %mul3A_117 {offsets = [8, 0], sizes = [64, 128], strides = [1, 1]} : vector<72x128xf32> to vector<64x128xf32>
    %slice3A_126 = vector.extract_strided_slice %add3A_113 {offsets = [8, 0], sizes = [64, 128], strides = [1, 1]} : vector<72x128xi32> to vector<64x128xi32>
    %scan3A_127 = arith.constant 1024 : i32
    %scan3A_128 = arith.constant 1024 : i32
    %scan3A_129 = arith.addi %scan3A_127, %scan3A_128 : i32
    %scan3A_130 = arith.constant 1 : i32
    scf.for %scan3A_209 = %scan3A_127 to %scan3A_129 step %scan3A_130  : i32 {
      %jit3A_210 = arith.constant 128 : i32
      %div3A = arith.divsi %scan3A_209, %jit3A_210 : i32
      %sign3A = arith.constant 0 : i32
      %sign3A_211 = arith.cmpi sgt, %scan3A_209, %sign3A : i32
      %sign3A_212 = arith.extui %sign3A_211 : i1 to i32
      %sign3A_213 = arith.constant 0 : i32
      %sign3A_214 = arith.cmpi slt, %scan3A_209, %sign3A_213 : i32
      %sign3A_215 = arith.extui %sign3A_214 : i1 to i32
      %sign3A_216 = arith.subi %sign3A_212, %sign3A_215 : i32
      %sign3A_217 = arith.constant 0 : i32
      %sign3A_218 = arith.cmpi sgt, %jit3A_210, %sign3A_217 : i32
      %sign3A_219 = arith.extui %sign3A_218 : i1 to i32
      %sign3A_220 = arith.constant 0 : i32
      %sign3A_221 = arith.cmpi slt, %jit3A_210, %sign3A_220 : i32
      %sign3A_222 = arith.extui %sign3A_221 : i1 to i32
      %sign3A_223 = arith.subi %sign3A_219, %sign3A_222 : i32
      %ne3A = arith.cmpi ne, %sign3A_216, %sign3A_223 : i32
      %rem3A = arith.remsi %scan3A_209, %jit3A_210 : i32
      %ne3A_224 = arith.constant 0 : i32
      %ne3A_225 = arith.cmpi ne, %rem3A, %ne3A_224 : i32
      %and3A_226 = arith.andi %ne3A, %ne3A_225 : i1
      %sub3A_227 = arith.constant 1 : i32
      %sub3A_228 = arith.subi %div3A, %sub3A_227 : i32
      %select_n3A = arith.select %and3A_226, %sub3A_228, %div3A : i32
      %mul3A_229 = arith.constant 128 : i32
      %mul3A_230 = arith.muli %select_n3A, %mul3A_229 : i32
      %sub3A_231 = arith.subi %scan3A_209, %mul3A_230 : i32
      %eq3A = vector.broadcast %sub3A_231 : i32 to vector<1x128xi32>
      %eq3A_232 = arith.cmpi eq, %iota3A_114, %eq3A : vector<1x128xi32>
      %convert_element_type3A_233 = arith.extui %eq3A_232 : vector<1x128xi1> to vector<1x128xi32>
      %convert_element_type3A_234 = arith.sitofp %convert_element_type3A_233 : vector<1x128xi32> to vector<1x128xf32>
      %get3A_235 = arith.index_cast %select_n3A : i32 to index
      %get3A_236 = arith.constant 0 : index
      %get3A_237 = vector.load %arg12[%get3A_235, %get3A_236] : memref<72x128xf32, #tpu.memory_space<vmem>>, vector<1x128xf32>
      %mul3A_238 = arith.mulf %get3A_237, %convert_element_type3A_234 : vector<1x128xf32>
      %reduce_sum3A = vector.shape_cast %mul3A_238 : vector<1x128xf32> to vector<1x1x128xf32>
      %reduce_sum3A_239 = arith.constant dense<0.000000e+00> : vector<1xf32>
      %reduce_sum3A_240 = vector.multi_reduction <add>, %reduce_sum3A, %reduce_sum3A_239 [1, 2] : vector<1x1x128xf32> to vector<1xf32>
      %reduce_sum3A_241 = vector.shape_cast %reduce_sum3A_240 : vector<1xf32> to vector<1x1x1xf32>
      %reduce_sum3A_242 = vector.extract %reduce_sum3A_241[0, 0, 0] : f32 from vector<1x1x1xf32>
      %gt3A = arith.constant 0.000000e+00 : f32
      %gt3A_243 = arith.cmpf ogt, %reduce_sum3A_242, %gt3A : f32
      %convert_element_type3A_244 = arith.extui %gt3A_243 : i1 to i32
      %cond3A = arith.constant 0 : i32
      %cond3A_245 = arith.cmpi ne, %convert_element_type3A_244, %cond3A : i32
      scf.if %cond3A_245 {
        %get3A_246 = arith.index_cast %select_n3A : i32 to index
        %get3A_247 = arith.constant 0 : index
        %get3A_248 = vector.load %arg8[%get3A_246, %get3A_247] : memref<72x128xf32, #tpu.memory_space<vmem>>, vector<1x128xf32>
        %mul3A_249 = arith.mulf %get3A_248, %convert_element_type3A_234 : vector<1x128xf32>
        %reduce_sum3A_250 = vector.shape_cast %mul3A_249 : vector<1x128xf32> to vector<1x1x128xf32>
        %reduce_sum3A_251 = arith.constant dense<0.000000e+00> : vector<1xf32>
        %reduce_sum3A_252 = vector.multi_reduction <add>, %reduce_sum3A_250, %reduce_sum3A_251 [1, 2] : vector<1x1x128xf32> to vector<1xf32>
        %reduce_sum3A_253 = vector.shape_cast %reduce_sum3A_252 : vector<1xf32> to vector<1x1x1xf32>
        %reduce_sum3A_254 = vector.extract %reduce_sum3A_253[0, 0, 0] : f32 from vector<1x1x1xf32>
        %get3A_255 = arith.index_cast %select_n3A : i32 to index
        %get3A_256 = arith.constant 0 : index
        %get3A_257 = vector.load %arg9[%get3A_255, %get3A_256] : memref<72x128xf32, #tpu.memory_space<vmem>>, vector<1x128xf32>
        %mul3A_258 = arith.mulf %get3A_257, %convert_element_type3A_234 : vector<1x128xf32>
        %reduce_sum3A_259 = vector.shape_cast %mul3A_258 : vector<1x128xf32> to vector<1x1x128xf32>
        %reduce_sum3A_260 = arith.constant dense<0.000000e+00> : vector<1xf32>
        %reduce_sum3A_261 = vector.multi_reduction <add>, %reduce_sum3A_259, %reduce_sum3A_260 [1, 2] : vector<1x1x128xf32> to vector<1xf32>
        %reduce_sum3A_262 = vector.shape_cast %reduce_sum3A_261 : vector<1xf32> to vector<1x1x1xf32>
        %reduce_sum3A_263 = vector.extract %reduce_sum3A_262[0, 0, 0] : f32 from vector<1x1x1xf32>
        %get3A_264 = arith.index_cast %select_n3A : i32 to index
        %get3A_265 = arith.constant 0 : index
        %get3A_266 = vector.load %arg10[%get3A_264, %get3A_265] : memref<72x128xf32, #tpu.memory_space<vmem>>, vector<1x128xf32>
        %mul3A_267 = arith.mulf %get3A_266, %convert_element_type3A_234 : vector<1x128xf32>
        %reduce_sum3A_268 = vector.shape_cast %mul3A_267 : vector<1x128xf32> to vector<1x1x128xf32>
        %reduce_sum3A_269 = arith.constant dense<0.000000e+00> : vector<1xf32>
        %reduce_sum3A_270 = vector.multi_reduction <add>, %reduce_sum3A_268, %reduce_sum3A_269 [1, 2] : vector<1x1x128xf32> to vector<1xf32>
        %reduce_sum3A_271 = vector.shape_cast %reduce_sum3A_270 : vector<1xf32> to vector<1x1x1xf32>
        %reduce_sum3A_272 = vector.extract %reduce_sum3A_271[0, 0, 0] : f32 from vector<1x1x1xf32>
        %get3A_273 = arith.index_cast %select_n3A : i32 to index
        %get3A_274 = arith.constant 0 : index
        %get3A_275 = vector.load %arg11[%get3A_273, %get3A_274] : memref<72x128xf32, #tpu.memory_space<vmem>>, vector<1x128xf32>
        %mul3A_276 = arith.mulf %get3A_275, %convert_element_type3A_234 : vector<1x128xf32>
        %reduce_sum3A_277 = vector.shape_cast %mul3A_276 : vector<1x128xf32> to vector<1x1x128xf32>
        %reduce_sum3A_278 = arith.constant dense<0.000000e+00> : vector<1xf32>
        %reduce_sum3A_279 = vector.multi_reduction <add>, %reduce_sum3A_277, %reduce_sum3A_278 [1, 2] : vector<1x1x128xf32> to vector<1xf32>
        %reduce_sum3A_280 = vector.shape_cast %reduce_sum3A_279 : vector<1xf32> to vector<1x1x1xf32>
        %reduce_sum3A_281 = vector.extract %reduce_sum3A_280[0, 0, 0] : f32 from vector<1x1x1xf32>
        %sub3A_282 = arith.subf %reduce_sum3A_272, %reduce_sum3A_254 : f32
        %sub3A_283 = arith.subf %reduce_sum3A_281, %reduce_sum3A_263 : f32
        %mul3A_284 = arith.mulf %sub3A_282, %sub3A_283 : f32
        %max3A_285 = vector.broadcast %reduce_sum3A_254 : f32 to vector<64x128xf32>
        %max3A_286 = arith.maximumf %max3A_285, %slice3A : vector<64x128xf32>
        %max3A_287 = vector.broadcast %reduce_sum3A_263 : f32 to vector<64x128xf32>
        %max3A_288 = arith.maximumf %max3A_287, %slice3A_122 : vector<64x128xf32>
        %min3A_289 = vector.broadcast %reduce_sum3A_272 : f32 to vector<64x128xf32>
        %min3A_290 = arith.minimumf %min3A_289, %slice3A_123 : vector<64x128xf32>
        %min3A_291 = vector.broadcast %reduce_sum3A_281 : f32 to vector<64x128xf32>
        %min3A_292 = arith.minimumf %min3A_291, %slice3A_124 : vector<64x128xf32>
        %sub3A_293 = arith.subf %min3A_290, %max3A_286 : vector<64x128xf32>
        %jit3A_294 = arith.constant 0.000000e+00 : f32
        %max3A_295 = vector.broadcast %jit3A_294 : f32 to vector<64x128xf32>
        %max3A_296 = arith.maximumf %max3A_295, %sub3A_293 : vector<64x128xf32>
        %sub3A_297 = arith.subf %min3A_292, %max3A_288 : vector<64x128xf32>
        %jit3A_298 = arith.constant 0.000000e+00 : f32
        %max3A_299 = vector.broadcast %jit3A_298 : f32 to vector<64x128xf32>
        %max3A_300 = arith.maximumf %max3A_299, %sub3A_297 : vector<64x128xf32>
        %mul3A_301 = arith.mulf %max3A_296, %max3A_300 : vector<64x128xf32>
        %mul3A_302 = arith.constant 1.700000e+00 : f32
        %mul3A_303 = vector.broadcast %mul3A_302 : f32 to vector<64x128xf32>
        %mul3A_304 = arith.mulf %mul3A_301, %mul3A_303 : vector<64x128xf32>
        %mul3A_305 = arith.constant 0.699999988 : f32
        %mul3A_306 = arith.mulf %mul3A_305, %mul3A_284 : f32
        %add3A_307 = vector.broadcast %mul3A_306 : f32 to vector<64x128xf32>
        %add3A_308 = arith.addf %add3A_307, %slice3A_125 : vector<64x128xf32>
        %gt3A_309 = arith.cmpf ogt, %mul3A_304, %add3A_308 : vector<64x128xf32>
        %gt3A_310 = vector.broadcast %scan3A_209 : i32 to vector<64x128xi32>
        %gt3A_311 = arith.cmpi sgt, %slice3A_126, %gt3A_310 : vector<64x128xi32>
        %and3A_312 = arith.andi %gt3A_309, %gt3A_311 : vector<64x128xi1>
        %get3A_313 = arith.constant 8 : index
        %get3A_314 = arith.constant 0 : index
        %get3A_315 = vector.load %arg12[%get3A_313, %get3A_314] : memref<72x128xf32, #tpu.memory_space<vmem>>, vector<64x128xf32>
        %convert_element_type3A_316 = arith.extui %and3A_312 : vector<64x128xi1> to vector<64x128xi32>
        %convert_element_type3A_317 = arith.sitofp %convert_element_type3A_316 : vector<64x128xi32> to vector<64x128xf32>
        %sub3A_318 = arith.constant 1.000000e+00 : f32
        %sub3A_319 = vector.broadcast %sub3A_318 : f32 to vector<64x128xf32>
        %sub3A_320 = arith.subf %sub3A_319, %convert_element_type3A_317 : vector<64x128xf32>
        %mul3A_321 = arith.mulf %get3A_315, %sub3A_320 : vector<64x128xf32>
        %swap3A_322 = arith.constant 8 : index
        %swap3A_323 = arith.constant 0 : index
        %swap3A_324 = vector.load %arg12[%swap3A_322, %swap3A_323] : memref<72x128xf32, #tpu.memory_space<vmem>>, vector<64x128xf32>
        tpu.vector_store %arg12[%swap3A_322, %swap3A_323], %mul3A_321 {strides = array<i32>} : memref<72x128xf32, #tpu.memory_space<vmem>>, vector<64x128xf32>,
      } else {
      }
    }
    %scan3A_131 = arith.constant 1024 : i32
    %slice3A_132 = vector.extract_strided_slice %min3A_55 {offsets = [16, 0], sizes = [56, 128], strides = [1, 1]} : vector<72x128xf32> to vector<56x128xf32>
    %slice3A_133 = vector.extract_strided_slice %min3A_65 {offsets = [16, 0], sizes = [56, 128], strides = [1, 1]} : vector<72x128xf32> to vector<56x128xf32>
    %slice3A_134 = vector.extract_strided_slice %min3A_75 {offsets = [16, 0], sizes = [56, 128], strides = [1, 1]} : vector<72x128xf32> to vector<56x128xf32>
    %slice3A_135 = vector.extract_strided_slice %min3A_85 {offsets = [16, 0], sizes = [56, 128], strides = [1, 1]} : vector<72x128xf32> to vector<56x128xf32>
    %slice3A_136 = vector.extract_strided_slice %mul3A_117 {offsets = [16, 0], sizes = [56, 128], strides = [1, 1]} : vector<72x128xf32> to vector<56x128xf32>
    %slice3A_137 = vector.extract_strided_slice %add3A_113 {offsets = [16, 0], sizes = [56, 128], strides = [1, 1]} : vector<72x128xi32> to vector<56x128xi32>
    %scan3A_138 = arith.constant 2048 : i32
    %scan3A_139 = arith.constant 1024 : i32
    %scan3A_140 = arith.addi %scan3A_138, %scan3A_139 : i32
    %scan3A_141 = arith.constant 1 : i32
    scf.for %scan3A_209 = %scan3A_138 to %scan3A_140 step %scan3A_141  : i32 {
      %jit3A_210 = arith.constant 128 : i32
      %div3A = arith.divsi %scan3A_209, %jit3A_210 : i32
      %sign3A = arith.constant 0 : i32
      %sign3A_211 = arith.cmpi sgt, %scan3A_209, %sign3A : i32
      %sign3A_212 = arith.extui %sign3A_211 : i1 to i32
      %sign3A_213 = arith.constant 0 : i32
      %sign3A_214 = arith.cmpi slt, %scan3A_209, %sign3A_213 : i32
      %sign3A_215 = arith.extui %sign3A_214 : i1 to i32
      %sign3A_216 = arith.subi %sign3A_212, %sign3A_215 : i32
      %sign3A_217 = arith.constant 0 : i32
      %sign3A_218 = arith.cmpi sgt, %jit3A_210, %sign3A_217 : i32
      %sign3A_219 = arith.extui %sign3A_218 : i1 to i32
      %sign3A_220 = arith.constant 0 : i32
      %sign3A_221 = arith.cmpi slt, %jit3A_210, %sign3A_220 : i32
      %sign3A_222 = arith.extui %sign3A_221 : i1 to i32
      %sign3A_223 = arith.subi %sign3A_219, %sign3A_222 : i32
      %ne3A = arith.cmpi ne, %sign3A_216, %sign3A_223 : i32
      %rem3A = arith.remsi %scan3A_209, %jit3A_210 : i32
      %ne3A_224 = arith.constant 0 : i32
      %ne3A_225 = arith.cmpi ne, %rem3A, %ne3A_224 : i32
      %and3A_226 = arith.andi %ne3A, %ne3A_225 : i1
      %sub3A_227 = arith.constant 1 : i32
      %sub3A_228 = arith.subi %div3A, %sub3A_227 : i32
      %select_n3A = arith.select %and3A_226, %sub3A_228, %div3A : i32
      %mul3A_229 = arith.constant 128 : i32
      %mul3A_230 = arith.muli %select_n3A, %mul3A_229 : i32
      %sub3A_231 = arith.subi %scan3A_209, %mul3A_230 : i32
      %eq3A = vector.broadcast %sub3A_231 : i32 to vector<1x128xi32>
      %eq3A_232 = arith.cmpi eq, %iota3A_114, %eq3A : vector<1x128xi32>
      %convert_element_type3A_233 = arith.extui %eq3A_232 : vector<1x128xi1> to vector<1x128xi32>
      %convert_element_type3A_234 = arith.sitofp %convert_element_type3A_233 : vector<1x128xi32> to vector<1x128xf32>
      %get3A_235 = arith.index_cast %select_n3A : i32 to index
      %get3A_236 = arith.constant 0 : index
      %get3A_237 = vector.load %arg12[%get3A_235, %get3A_236] : memref<72x128xf32, #tpu.memory_space<vmem>>, vector<1x128xf32>
      %mul3A_238 = arith.mulf %get3A_237, %convert_element_type3A_234 : vector<1x128xf32>
      %reduce_sum3A = vector.shape_cast %mul3A_238 : vector<1x128xf32> to vector<1x1x128xf32>
      %reduce_sum3A_239 = arith.constant dense<0.000000e+00> : vector<1xf32>
      %reduce_sum3A_240 = vector.multi_reduction <add>, %reduce_sum3A, %reduce_sum3A_239 [1, 2] : vector<1x1x128xf32> to vector<1xf32>
      %reduce_sum3A_241 = vector.shape_cast %reduce_sum3A_240 : vector<1xf32> to vector<1x1x1xf32>
      %reduce_sum3A_242 = vector.extract %reduce_sum3A_241[0, 0, 0] : f32 from vector<1x1x1xf32>
      %gt3A = arith.constant 0.000000e+00 : f32
      %gt3A_243 = arith.cmpf ogt, %reduce_sum3A_242, %gt3A : f32
      %convert_element_type3A_244 = arith.extui %gt3A_243 : i1 to i32
      %cond3A = arith.constant 0 : i32
      %cond3A_245 = arith.cmpi ne, %convert_element_type3A_244, %cond3A : i32
      scf.if %cond3A_245 {
        %get3A_246 = arith.index_cast %select_n3A : i32 to index
        %get3A_247 = arith.constant 0 : index
        %get3A_248 = vector.load %arg8[%get3A_246, %get3A_247] : memref<72x128xf32, #tpu.memory_space<vmem>>, vector<1x128xf32>
        %mul3A_249 = arith.mulf %get3A_248, %convert_element_type3A_234 : vector<1x128xf32>
        %reduce_sum3A_250 = vector.shape_cast %mul3A_249 : vector<1x128xf32> to vector<1x1x128xf32>
        %reduce_sum3A_251 = arith.constant dense<0.000000e+00> : vector<1xf32>
        %reduce_sum3A_252 = vector.multi_reduction <add>, %reduce_sum3A_250, %reduce_sum3A_251 [1, 2] : vector<1x1x128xf32> to vector<1xf32>
        %reduce_sum3A_253 = vector.shape_cast %reduce_sum3A_252 : vector<1xf32> to vector<1x1x1xf32>
        %reduce_sum3A_254 = vector.extract %reduce_sum3A_253[0, 0, 0] : f32 from vector<1x1x1xf32>
        %get3A_255 = arith.index_cast %select_n3A : i32 to index
        %get3A_256 = arith.constant 0 : index
        %get3A_257 = vector.load %arg9[%get3A_255, %get3A_256] : memref<72x128xf32, #tpu.memory_space<vmem>>, vector<1x128xf32>
        %mul3A_258 = arith.mulf %get3A_257, %convert_element_type3A_234 : vector<1x128xf32>
        %reduce_sum3A_259 = vector.shape_cast %mul3A_258 : vector<1x128xf32> to vector<1x1x128xf32>
        %reduce_sum3A_260 = arith.constant dense<0.000000e+00> : vector<1xf32>
        %reduce_sum3A_261 = vector.multi_reduction <add>, %reduce_sum3A_259, %reduce_sum3A_260 [1, 2] : vector<1x1x128xf32> to vector<1xf32>
        %reduce_sum3A_262 = vector.shape_cast %reduce_sum3A_261 : vector<1xf32> to vector<1x1x1xf32>
        %reduce_sum3A_263 = vector.extract %reduce_sum3A_262[0, 0, 0] : f32 from vector<1x1x1xf32>
        %get3A_264 = arith.index_cast %select_n3A : i32 to index
        %get3A_265 = arith.constant 0 : index
        %get3A_266 = vector.load %arg10[%get3A_264, %get3A_265] : memref<72x128xf32, #tpu.memory_space<vmem>>, vector<1x128xf32>
        %mul3A_267 = arith.mulf %get3A_266, %convert_element_type3A_234 : vector<1x128xf32>
        %reduce_sum3A_268 = vector.shape_cast %mul3A_267 : vector<1x128xf32> to vector<1x1x128xf32>
        %reduce_sum3A_269 = arith.constant dense<0.000000e+00> : vector<1xf32>
        %reduce_sum3A_270 = vector.multi_reduction <add>, %reduce_sum3A_268, %reduce_sum3A_269 [1, 2] : vector<1x1x128xf32> to vector<1xf32>
        %reduce_sum3A_271 = vector.shape_cast %reduce_sum3A_270 : vector<1xf32> to vector<1x1x1xf32>
        %reduce_sum3A_272 = vector.extract %reduce_sum3A_271[0, 0, 0] : f32 from vector<1x1x1xf32>
        %get3A_273 = arith.index_cast %select_n3A : i32 to index
        %get3A_274 = arith.constant 0 : index
        %get3A_275 = vector.load %arg11[%get3A_273, %get3A_274] : memref<72x128xf32, #tpu.memory_space<vmem>>, vector<1x128xf32>
        %mul3A_276 = arith.mulf %get3A_275, %convert_element_type3A_234 : vector<1x128xf32>
        %reduce_sum3A_277 = vector.shape_cast %mul3A_276 : vector<1x128xf32> to vector<1x1x128xf32>
        %reduce_sum3A_278 = arith.constant dense<0.000000e+00> : vector<1xf32>
        %reduce_sum3A_279 = vector.multi_reduction <add>, %reduce_sum3A_277, %reduce_sum3A_278 [1, 2] : vector<1x1x128xf32> to vector<1xf32>
        %reduce_sum3A_280 = vector.shape_cast %reduce_sum3A_279 : vector<1xf32> to vector<1x1x1xf32>
        %reduce_sum3A_281 = vector.extract %reduce_sum3A_280[0, 0, 0] : f32 from vector<1x1x1xf32>
        %sub3A_282 = arith.subf %reduce_sum3A_272, %reduce_sum3A_254 : f32
        %sub3A_283 = arith.subf %reduce_sum3A_281, %reduce_sum3A_263 : f32
        %mul3A_284 = arith.mulf %sub3A_282, %sub3A_283 : f32
        %max3A_285 = vector.broadcast %reduce_sum3A_254 : f32 to vector<56x128xf32>
        %max3A_286 = arith.maximumf %max3A_285, %slice3A_132 : vector<56x128xf32>
        %max3A_287 = vector.broadcast %reduce_sum3A_263 : f32 to vector<56x128xf32>
        %max3A_288 = arith.maximumf %max3A_287, %slice3A_133 : vector<56x128xf32>
        %min3A_289 = vector.broadcast %reduce_sum3A_272 : f32 to vector<56x128xf32>
        %min3A_290 = arith.minimumf %min3A_289, %slice3A_134 : vector<56x128xf32>
        %min3A_291 = vector.broadcast %reduce_sum3A_281 : f32 to vector<56x128xf32>
        %min3A_292 = arith.minimumf %min3A_291, %slice3A_135 : vector<56x128xf32>
        %sub3A_293 = arith.subf %min3A_290, %max3A_286 : vector<56x128xf32>
        %jit3A_294 = arith.constant 0.000000e+00 : f32
        %max3A_295 = vector.broadcast %jit3A_294 : f32 to vector<56x128xf32>
        %max3A_296 = arith.maximumf %max3A_295, %sub3A_293 : vector<56x128xf32>
        %sub3A_297 = arith.subf %min3A_292, %max3A_288 : vector<56x128xf32>
        %jit3A_298 = arith.constant 0.000000e+00 : f32
        %max3A_299 = vector.broadcast %jit3A_298 : f32 to vector<56x128xf32>
        %max3A_300 = arith.maximumf %max3A_299, %sub3A_297 : vector<56x128xf32>
        %mul3A_301 = arith.mulf %max3A_296, %max3A_300 : vector<56x128xf32>
        %mul3A_302 = arith.constant 1.700000e+00 : f32
        %mul3A_303 = vector.broadcast %mul3A_302 : f32 to vector<56x128xf32>
        %mul3A_304 = arith.mulf %mul3A_301, %mul3A_303 : vector<56x128xf32>
        %mul3A_305 = arith.constant 0.699999988 : f32
        %mul3A_306 = arith.mulf %mul3A_305, %mul3A_284 : f32
        %add3A_307 = vector.broadcast %mul3A_306 : f32 to vector<56x128xf32>
        %add3A_308 = arith.addf %add3A_307, %slice3A_136 : vector<56x128xf32>
        %gt3A_309 = arith.cmpf ogt, %mul3A_304, %add3A_308 : vector<56x128xf32>
        %gt3A_310 = vector.broadcast %scan3A_209 : i32 to vector<56x128xi32>
        %gt3A_311 = arith.cmpi sgt, %slice3A_137, %gt3A_310 : vector<56x128xi32>
        %and3A_312 = arith.andi %gt3A_309, %gt3A_311 : vector<56x128xi1>
        %get3A_313 = arith.constant 16 : index
        %get3A_314 = arith.constant 0 : index
        %get3A_315 = vector.load %arg12[%get3A_313, %get3A_314] : memref<72x128xf32, #tpu.memory_space<vmem>>, vector<56x128xf32>
        %convert_element_type3A_316 = arith.extui %and3A_312 : vector<56x128xi1> to vector<56x128xi32>
        %convert_element_type3A_317 = arith.sitofp %convert_element_type3A_316 : vector<56x128xi32> to vector<56x128xf32>
        %sub3A_318 = arith.constant 1.000000e+00 : f32
        %sub3A_319 = vector.broadcast %sub3A_318 : f32 to vector<56x128xf32>
        %sub3A_320 = arith.subf %sub3A_319, %convert_element_type3A_317 : vector<56x128xf32>
        %mul3A_321 = arith.mulf %get3A_315, %sub3A_320 : vector<56x128xf32>
        %swap3A_322 = arith.constant 16 : index
        %swap3A_323 = arith.constant 0 : index
        %swap3A_324 = vector.load %arg12[%swap3A_322, %swap3A_323] : memref<72x128xf32, #tpu.memory_space<vmem>>, vector<56x128xf32>
        tpu.vector_store %arg12[%swap3A_322, %swap3A_323], %mul3A_321 {strides = array<i32>} : memref<72x128xf32, #tpu.memory_space<vmem>>, vector<56x128xf32>,
      } else {
      }
    }
    %scan3A_142 = arith.constant 1024 : i32
    %slice3A_143 = vector.extract_strided_slice %min3A_55 {offsets = [24, 0], sizes = [48, 128], strides = [1, 1]} : vector<72x128xf32> to vector<48x128xf32>
    %slice3A_144 = vector.extract_strided_slice %min3A_65 {offsets = [24, 0], sizes = [48, 128], strides = [1, 1]} : vector<72x128xf32> to vector<48x128xf32>
    %slice3A_145 = vector.extract_strided_slice %min3A_75 {offsets = [24, 0], sizes = [48, 128], strides = [1, 1]} : vector<72x128xf32> to vector<48x128xf32>
    %slice3A_146 = vector.extract_strided_slice %min3A_85 {offsets = [24, 0], sizes = [48, 128], strides = [1, 1]} : vector<72x128xf32> to vector<48x128xf32>
    %slice3A_147 = vector.extract_strided_slice %mul3A_117 {offsets = [24, 0], sizes = [48, 128], strides = [1, 1]} : vector<72x128xf32> to vector<48x128xf32>
    %slice3A_148 = vector.extract_strided_slice %add3A_113 {offsets = [24, 0], sizes = [48, 128], strides = [1, 1]} : vector<72x128xi32> to vector<48x128xi32>
    %scan3A_149 = arith.constant 3072 : i32
    %scan3A_150 = arith.constant 1024 : i32
    %scan3A_151 = arith.addi %scan3A_149, %scan3A_150 : i32
    %scan3A_152 = arith.constant 1 : i32
    scf.for %scan3A_209 = %scan3A_149 to %scan3A_151 step %scan3A_152  : i32 {
      %jit3A_210 = arith.constant 128 : i32
      %div3A = arith.divsi %scan3A_209, %jit3A_210 : i32
      %sign3A = arith.constant 0 : i32
      %sign3A_211 = arith.cmpi sgt, %scan3A_209, %sign3A : i32
      %sign3A_212 = arith.extui %sign3A_211 : i1 to i32
      %sign3A_213 = arith.constant 0 : i32
      %sign3A_214 = arith.cmpi slt, %scan3A_209, %sign3A_213 : i32
      %sign3A_215 = arith.extui %sign3A_214 : i1 to i32
      %sign3A_216 = arith.subi %sign3A_212, %sign3A_215 : i32
      %sign3A_217 = arith.constant 0 : i32
      %sign3A_218 = arith.cmpi sgt, %jit3A_210, %sign3A_217 : i32
      %sign3A_219 = arith.extui %sign3A_218 : i1 to i32
      %sign3A_220 = arith.constant 0 : i32
      %sign3A_221 = arith.cmpi slt, %jit3A_210, %sign3A_220 : i32
      %sign3A_222 = arith.extui %sign3A_221 : i1 to i32
      %sign3A_223 = arith.subi %sign3A_219, %sign3A_222 : i32
      %ne3A = arith.cmpi ne, %sign3A_216, %sign3A_223 : i32
      %rem3A = arith.remsi %scan3A_209, %jit3A_210 : i32
      %ne3A_224 = arith.constant 0 : i32
      %ne3A_225 = arith.cmpi ne, %rem3A, %ne3A_224 : i32
      %and3A_226 = arith.andi %ne3A, %ne3A_225 : i1
      %sub3A_227 = arith.constant 1 : i32
      %sub3A_228 = arith.subi %div3A, %sub3A_227 : i32
      %select_n3A = arith.select %and3A_226, %sub3A_228, %div3A : i32
      %mul3A_229 = arith.constant 128 : i32
      %mul3A_230 = arith.muli %select_n3A, %mul3A_229 : i32
      %sub3A_231 = arith.subi %scan3A_209, %mul3A_230 : i32
      %eq3A = vector.broadcast %sub3A_231 : i32 to vector<1x128xi32>
      %eq3A_232 = arith.cmpi eq, %iota3A_114, %eq3A : vector<1x128xi32>
      %convert_element_type3A_233 = arith.extui %eq3A_232 : vector<1x128xi1> to vector<1x128xi32>
      %convert_element_type3A_234 = arith.sitofp %convert_element_type3A_233 : vector<1x128xi32> to vector<1x128xf32>
      %get3A_235 = arith.index_cast %select_n3A : i32 to index
      %get3A_236 = arith.constant 0 : index
      %get3A_237 = vector.load %arg12[%get3A_235, %get3A_236] : memref<72x128xf32, #tpu.memory_space<vmem>>, vector<1x128xf32>
      %mul3A_238 = arith.mulf %get3A_237, %convert_element_type3A_234 : vector<1x128xf32>
      %reduce_sum3A = vector.shape_cast %mul3A_238 : vector<1x128xf32> to vector<1x1x128xf32>
      %reduce_sum3A_239 = arith.constant dense<0.000000e+00> : vector<1xf32>
      %reduce_sum3A_240 = vector.multi_reduction <add>, %reduce_sum3A, %reduce_sum3A_239 [1, 2] : vector<1x1x128xf32> to vector<1xf32>
      %reduce_sum3A_241 = vector.shape_cast %reduce_sum3A_240 : vector<1xf32> to vector<1x1x1xf32>
      %reduce_sum3A_242 = vector.extract %reduce_sum3A_241[0, 0, 0] : f32 from vector<1x1x1xf32>
      %gt3A = arith.constant 0.000000e+00 : f32
      %gt3A_243 = arith.cmpf ogt, %reduce_sum3A_242, %gt3A : f32
      %convert_element_type3A_244 = arith.extui %gt3A_243 : i1 to i32
      %cond3A = arith.constant 0 : i32
      %cond3A_245 = arith.cmpi ne, %convert_element_type3A_244, %cond3A : i32
      scf.if %cond3A_245 {
        %get3A_246 = arith.index_cast %select_n3A : i32 to index
        %get3A_247 = arith.constant 0 : index
        %get3A_248 = vector.load %arg8[%get3A_246, %get3A_247] : memref<72x128xf32, #tpu.memory_space<vmem>>, vector<1x128xf32>
        %mul3A_249 = arith.mulf %get3A_248, %convert_element_type3A_234 : vector<1x128xf32>
        %reduce_sum3A_250 = vector.shape_cast %mul3A_249 : vector<1x128xf32> to vector<1x1x128xf32>
        %reduce_sum3A_251 = arith.constant dense<0.000000e+00> : vector<1xf32>
        %reduce_sum3A_252 = vector.multi_reduction <add>, %reduce_sum3A_250, %reduce_sum3A_251 [1, 2] : vector<1x1x128xf32> to vector<1xf32>
        %reduce_sum3A_253 = vector.shape_cast %reduce_sum3A_252 : vector<1xf32> to vector<1x1x1xf32>
        %reduce_sum3A_254 = vector.extract %reduce_sum3A_253[0, 0, 0] : f32 from vector<1x1x1xf32>
        %get3A_255 = arith.index_cast %select_n3A : i32 to index
        %get3A_256 = arith.constant 0 : index
        %get3A_257 = vector.load %arg9[%get3A_255, %get3A_256] : memref<72x128xf32, #tpu.memory_space<vmem>>, vector<1x128xf32>
        %mul3A_258 = arith.mulf %get3A_257, %convert_element_type3A_234 : vector<1x128xf32>
        %reduce_sum3A_259 = vector.shape_cast %mul3A_258 : vector<1x128xf32> to vector<1x1x128xf32>
        %reduce_sum3A_260 = arith.constant dense<0.000000e+00> : vector<1xf32>
        %reduce_sum3A_261 = vector.multi_reduction <add>, %reduce_sum3A_259, %reduce_sum3A_260 [1, 2] : vector<1x1x128xf32> to vector<1xf32>
        %reduce_sum3A_262 = vector.shape_cast %reduce_sum3A_261 : vector<1xf32> to vector<1x1x1xf32>
        %reduce_sum3A_263 = vector.extract %reduce_sum3A_262[0, 0, 0] : f32 from vector<1x1x1xf32>
        %get3A_264 = arith.index_cast %select_n3A : i32 to index
        %get3A_265 = arith.constant 0 : index
        %get3A_266 = vector.load %arg10[%get3A_264, %get3A_265] : memref<72x128xf32, #tpu.memory_space<vmem>>, vector<1x128xf32>
        %mul3A_267 = arith.mulf %get3A_266, %convert_element_type3A_234 : vector<1x128xf32>
        %reduce_sum3A_268 = vector.shape_cast %mul3A_267 : vector<1x128xf32> to vector<1x1x128xf32>
        %reduce_sum3A_269 = arith.constant dense<0.000000e+00> : vector<1xf32>
        %reduce_sum3A_270 = vector.multi_reduction <add>, %reduce_sum3A_268, %reduce_sum3A_269 [1, 2] : vector<1x1x128xf32> to vector<1xf32>
        %reduce_sum3A_271 = vector.shape_cast %reduce_sum3A_270 : vector<1xf32> to vector<1x1x1xf32>
        %reduce_sum3A_272 = vector.extract %reduce_sum3A_271[0, 0, 0] : f32 from vector<1x1x1xf32>
        %get3A_273 = arith.index_cast %select_n3A : i32 to index
        %get3A_274 = arith.constant 0 : index
        %get3A_275 = vector.load %arg11[%get3A_273, %get3A_274] : memref<72x128xf32, #tpu.memory_space<vmem>>, vector<1x128xf32>
        %mul3A_276 = arith.mulf %get3A_275, %convert_element_type3A_234 : vector<1x128xf32>
        %reduce_sum3A_277 = vector.shape_cast %mul3A_276 : vector<1x128xf32> to vector<1x1x128xf32>
        %reduce_sum3A_278 = arith.constant dense<0.000000e+00> : vector<1xf32>
        %reduce_sum3A_279 = vector.multi_reduction <add>, %reduce_sum3A_277, %reduce_sum3A_278 [1, 2] : vector<1x1x128xf32> to vector<1xf32>
        %reduce_sum3A_280 = vector.shape_cast %reduce_sum3A_279 : vector<1xf32> to vector<1x1x1xf32>
        %reduce_sum3A_281 = vector.extract %reduce_sum3A_280[0, 0, 0] : f32 from vector<1x1x1xf32>
        %sub3A_282 = arith.subf %reduce_sum3A_272, %reduce_sum3A_254 : f32
        %sub3A_283 = arith.subf %reduce_sum3A_281, %reduce_sum3A_263 : f32
        %mul3A_284 = arith.mulf %sub3A_282, %sub3A_283 : f32
        %max3A_285 = vector.broadcast %reduce_sum3A_254 : f32 to vector<48x128xf32>
        %max3A_286 = arith.maximumf %max3A_285, %slice3A_143 : vector<48x128xf32>
        %max3A_287 = vector.broadcast %reduce_sum3A_263 : f32 to vector<48x128xf32>
        %max3A_288 = arith.maximumf %max3A_287, %slice3A_144 : vector<48x128xf32>
        %min3A_289 = vector.broadcast %reduce_sum3A_272 : f32 to vector<48x128xf32>
        %min3A_290 = arith.minimumf %min3A_289, %slice3A_145 : vector<48x128xf32>
        %min3A_291 = vector.broadcast %reduce_sum3A_281 : f32 to vector<48x128xf32>
        %min3A_292 = arith.minimumf %min3A_291, %slice3A_146 : vector<48x128xf32>
        %sub3A_293 = arith.subf %min3A_290, %max3A_286 : vector<48x128xf32>
        %jit3A_294 = arith.constant 0.000000e+00 : f32
        %max3A_295 = vector.broadcast %jit3A_294 : f32 to vector<48x128xf32>
        %max3A_296 = arith.maximumf %max3A_295, %sub3A_293 : vector<48x128xf32>
        %sub3A_297 = arith.subf %min3A_292, %max3A_288 : vector<48x128xf32>
        %jit3A_298 = arith.constant 0.000000e+00 : f32
        %max3A_299 = vector.broadcast %jit3A_298 : f32 to vector<48x128xf32>
        %max3A_300 = arith.maximumf %max3A_299, %sub3A_297 : vector<48x128xf32>
        %mul3A_301 = arith.mulf %max3A_296, %max3A_300 : vector<48x128xf32>
        %mul3A_302 = arith.constant 1.700000e+00 : f32
        %mul3A_303 = vector.broadcast %mul3A_302 : f32 to vector<48x128xf32>
        %mul3A_304 = arith.mulf %mul3A_301, %mul3A_303 : vector<48x128xf32>
        %mul3A_305 = arith.constant 0.699999988 : f32
        %mul3A_306 = arith.mulf %mul3A_305, %mul3A_284 : f32
        %add3A_307 = vector.broadcast %mul3A_306 : f32 to vector<48x128xf32>
        %add3A_308 = arith.addf %add3A_307, %slice3A_147 : vector<48x128xf32>
        %gt3A_309 = arith.cmpf ogt, %mul3A_304, %add3A_308 : vector<48x128xf32>
        %gt3A_310 = vector.broadcast %scan3A_209 : i32 to vector<48x128xi32>
        %gt3A_311 = arith.cmpi sgt, %slice3A_148, %gt3A_310 : vector<48x128xi32>
        %and3A_312 = arith.andi %gt3A_309, %gt3A_311 : vector<48x128xi1>
        %get3A_313 = arith.constant 24 : index
        %get3A_314 = arith.constant 0 : index
        %get3A_315 = vector.load %arg12[%get3A_313, %get3A_314] : memref<72x128xf32, #tpu.memory_space<vmem>>, vector<48x128xf32>
        %convert_element_type3A_316 = arith.extui %and3A_312 : vector<48x128xi1> to vector<48x128xi32>
        %convert_element_type3A_317 = arith.sitofp %convert_element_type3A_316 : vector<48x128xi32> to vector<48x128xf32>
        %sub3A_318 = arith.constant 1.000000e+00 : f32
        %sub3A_319 = vector.broadcast %sub3A_318 : f32 to vector<48x128xf32>
        %sub3A_320 = arith.subf %sub3A_319, %convert_element_type3A_317 : vector<48x128xf32>
        %mul3A_321 = arith.mulf %get3A_315, %sub3A_320 : vector<48x128xf32>
        %swap3A_322 = arith.constant 24 : index
        %swap3A_323 = arith.constant 0 : index
        %swap3A_324 = vector.load %arg12[%swap3A_322, %swap3A_323] : memref<72x128xf32, #tpu.memory_space<vmem>>, vector<48x128xf32>
        tpu.vector_store %arg12[%swap3A_322, %swap3A_323], %mul3A_321 {strides = array<i32>} : memref<72x128xf32, #tpu.memory_space<vmem>>, vector<48x128xf32>,
      } else {
      }
    }
    %scan3A_153 = arith.constant 1024 : i32
    %slice3A_154 = vector.extract_strided_slice %min3A_55 {offsets = [32, 0], sizes = [40, 128], strides = [1, 1]} : vector<72x128xf32> to vector<40x128xf32>
    %slice3A_155 = vector.extract_strided_slice %min3A_65 {offsets = [32, 0], sizes = [40, 128], strides = [1, 1]} : vector<72x128xf32> to vector<40x128xf32>
    %slice3A_156 = vector.extract_strided_slice %min3A_75 {offsets = [32, 0], sizes = [40, 128], strides = [1, 1]} : vector<72x128xf32> to vector<40x128xf32>
    %slice3A_157 = vector.extract_strided_slice %min3A_85 {offsets = [32, 0], sizes = [40, 128], strides = [1, 1]} : vector<72x128xf32> to vector<40x128xf32>
    %slice3A_158 = vector.extract_strided_slice %mul3A_117 {offsets = [32, 0], sizes = [40, 128], strides = [1, 1]} : vector<72x128xf32> to vector<40x128xf32>
    %slice3A_159 = vector.extract_strided_slice %add3A_113 {offsets = [32, 0], sizes = [40, 128], strides = [1, 1]} : vector<72x128xi32> to vector<40x128xi32>
    %scan3A_160 = arith.constant 4096 : i32
    %scan3A_161 = arith.constant 1024 : i32
    %scan3A_162 = arith.addi %scan3A_160, %scan3A_161 : i32
    %scan3A_163 = arith.constant 1 : i32
    scf.for %scan3A_209 = %scan3A_160 to %scan3A_162 step %scan3A_163  : i32 {
      %jit3A_210 = arith.constant 128 : i32
      %div3A = arith.divsi %scan3A_209, %jit3A_210 : i32
      %sign3A = arith.constant 0 : i32
      %sign3A_211 = arith.cmpi sgt, %scan3A_209, %sign3A : i32
      %sign3A_212 = arith.extui %sign3A_211 : i1 to i32
      %sign3A_213 = arith.constant 0 : i32
      %sign3A_214 = arith.cmpi slt, %scan3A_209, %sign3A_213 : i32
      %sign3A_215 = arith.extui %sign3A_214 : i1 to i32
      %sign3A_216 = arith.subi %sign3A_212, %sign3A_215 : i32
      %sign3A_217 = arith.constant 0 : i32
      %sign3A_218 = arith.cmpi sgt, %jit3A_210, %sign3A_217 : i32
      %sign3A_219 = arith.extui %sign3A_218 : i1 to i32
      %sign3A_220 = arith.constant 0 : i32
      %sign3A_221 = arith.cmpi slt, %jit3A_210, %sign3A_220 : i32
      %sign3A_222 = arith.extui %sign3A_221 : i1 to i32
      %sign3A_223 = arith.subi %sign3A_219, %sign3A_222 : i32
      %ne3A = arith.cmpi ne, %sign3A_216, %sign3A_223 : i32
      %rem3A = arith.remsi %scan3A_209, %jit3A_210 : i32
      %ne3A_224 = arith.constant 0 : i32
      %ne3A_225 = arith.cmpi ne, %rem3A, %ne3A_224 : i32
      %and3A_226 = arith.andi %ne3A, %ne3A_225 : i1
      %sub3A_227 = arith.constant 1 : i32
      %sub3A_228 = arith.subi %div3A, %sub3A_227 : i32
      %select_n3A = arith.select %and3A_226, %sub3A_228, %div3A : i32
      %mul3A_229 = arith.constant 128 : i32
      %mul3A_230 = arith.muli %select_n3A, %mul3A_229 : i32
      %sub3A_231 = arith.subi %scan3A_209, %mul3A_230 : i32
      %eq3A = vector.broadcast %sub3A_231 : i32 to vector<1x128xi32>
      %eq3A_232 = arith.cmpi eq, %iota3A_114, %eq3A : vector<1x128xi32>
      %convert_element_type3A_233 = arith.extui %eq3A_232 : vector<1x128xi1> to vector<1x128xi32>
      %convert_element_type3A_234 = arith.sitofp %convert_element_type3A_233 : vector<1x128xi32> to vector<1x128xf32>
      %get3A_235 = arith.index_cast %select_n3A : i32 to index
      %get3A_236 = arith.constant 0 : index
      %get3A_237 = vector.load %arg12[%get3A_235, %get3A_236] : memref<72x128xf32, #tpu.memory_space<vmem>>, vector<1x128xf32>
      %mul3A_238 = arith.mulf %get3A_237, %convert_element_type3A_234 : vector<1x128xf32>
      %reduce_sum3A = vector.shape_cast %mul3A_238 : vector<1x128xf32> to vector<1x1x128xf32>
      %reduce_sum3A_239 = arith.constant dense<0.000000e+00> : vector<1xf32>
      %reduce_sum3A_240 = vector.multi_reduction <add>, %reduce_sum3A, %reduce_sum3A_239 [1, 2] : vector<1x1x128xf32> to vector<1xf32>
      %reduce_sum3A_241 = vector.shape_cast %reduce_sum3A_240 : vector<1xf32> to vector<1x1x1xf32>
      %reduce_sum3A_242 = vector.extract %reduce_sum3A_241[0, 0, 0] : f32 from vector<1x1x1xf32>
      %gt3A = arith.constant 0.000000e+00 : f32
      %gt3A_243 = arith.cmpf ogt, %reduce_sum3A_242, %gt3A : f32
      %convert_element_type3A_244 = arith.extui %gt3A_243 : i1 to i32
      %cond3A = arith.constant 0 : i32
      %cond3A_245 = arith.cmpi ne, %convert_element_type3A_244, %cond3A : i32
      scf.if %cond3A_245 {
        %get3A_246 = arith.index_cast %select_n3A : i32 to index
        %get3A_247 = arith.constant 0 : index
        %get3A_248 = vector.load %arg8[%get3A_246, %get3A_247] : memref<72x128xf32, #tpu.memory_space<vmem>>, vector<1x128xf32>
        %mul3A_249 = arith.mulf %get3A_248, %convert_element_type3A_234 : vector<1x128xf32>
        %reduce_sum3A_250 = vector.shape_cast %mul3A_249 : vector<1x128xf32> to vector<1x1x128xf32>
        %reduce_sum3A_251 = arith.constant dense<0.000000e+00> : vector<1xf32>
        %reduce_sum3A_252 = vector.multi_reduction <add>, %reduce_sum3A_250, %reduce_sum3A_251 [1, 2] : vector<1x1x128xf32> to vector<1xf32>
        %reduce_sum3A_253 = vector.shape_cast %reduce_sum3A_252 : vector<1xf32> to vector<1x1x1xf32>
        %reduce_sum3A_254 = vector.extract %reduce_sum3A_253[0, 0, 0] : f32 from vector<1x1x1xf32>
        %get3A_255 = arith.index_cast %select_n3A : i32 to index
        %get3A_256 = arith.constant 0 : index
        %get3A_257 = vector.load %arg9[%get3A_255, %get3A_256] : memref<72x128xf32, #tpu.memory_space<vmem>>, vector<1x128xf32>
        %mul3A_258 = arith.mulf %get3A_257, %convert_element_type3A_234 : vector<1x128xf32>
        %reduce_sum3A_259 = vector.shape_cast %mul3A_258 : vector<1x128xf32> to vector<1x1x128xf32>
        %reduce_sum3A_260 = arith.constant dense<0.000000e+00> : vector<1xf32>
        %reduce_sum3A_261 = vector.multi_reduction <add>, %reduce_sum3A_259, %reduce_sum3A_260 [1, 2] : vector<1x1x128xf32> to vector<1xf32>
        %reduce_sum3A_262 = vector.shape_cast %reduce_sum3A_261 : vector<1xf32> to vector<1x1x1xf32>
        %reduce_sum3A_263 = vector.extract %reduce_sum3A_262[0, 0, 0] : f32 from vector<1x1x1xf32>
        %get3A_264 = arith.index_cast %select_n3A : i32 to index
        %get3A_265 = arith.constant 0 : index
        %get3A_266 = vector.load %arg10[%get3A_264, %get3A_265] : memref<72x128xf32, #tpu.memory_space<vmem>>, vector<1x128xf32>
        %mul3A_267 = arith.mulf %get3A_266, %convert_element_type3A_234 : vector<1x128xf32>
        %reduce_sum3A_268 = vector.shape_cast %mul3A_267 : vector<1x128xf32> to vector<1x1x128xf32>
        %reduce_sum3A_269 = arith.constant dense<0.000000e+00> : vector<1xf32>
        %reduce_sum3A_270 = vector.multi_reduction <add>, %reduce_sum3A_268, %reduce_sum3A_269 [1, 2] : vector<1x1x128xf32> to vector<1xf32>
        %reduce_sum3A_271 = vector.shape_cast %reduce_sum3A_270 : vector<1xf32> to vector<1x1x1xf32>
        %reduce_sum3A_272 = vector.extract %reduce_sum3A_271[0, 0, 0] : f32 from vector<1x1x1xf32>
        %get3A_273 = arith.index_cast %select_n3A : i32 to index
        %get3A_274 = arith.constant 0 : index
        %get3A_275 = vector.load %arg11[%get3A_273, %get3A_274] : memref<72x128xf32, #tpu.memory_space<vmem>>, vector<1x128xf32>
        %mul3A_276 = arith.mulf %get3A_275, %convert_element_type3A_234 : vector<1x128xf32>
        %reduce_sum3A_277 = vector.shape_cast %mul3A_276 : vector<1x128xf32> to vector<1x1x128xf32>
        %reduce_sum3A_278 = arith.constant dense<0.000000e+00> : vector<1xf32>
        %reduce_sum3A_279 = vector.multi_reduction <add>, %reduce_sum3A_277, %reduce_sum3A_278 [1, 2] : vector<1x1x128xf32> to vector<1xf32>
        %reduce_sum3A_280 = vector.shape_cast %reduce_sum3A_279 : vector<1xf32> to vector<1x1x1xf32>
        %reduce_sum3A_281 = vector.extract %reduce_sum3A_280[0, 0, 0] : f32 from vector<1x1x1xf32>
        %sub3A_282 = arith.subf %reduce_sum3A_272, %reduce_sum3A_254 : f32
        %sub3A_283 = arith.subf %reduce_sum3A_281, %reduce_sum3A_263 : f32
        %mul3A_284 = arith.mulf %sub3A_282, %sub3A_283 : f32
        %max3A_285 = vector.broadcast %reduce_sum3A_254 : f32 to vector<40x128xf32>
        %max3A_286 = arith.maximumf %max3A_285, %slice3A_154 : vector<40x128xf32>
        %max3A_287 = vector.broadcast %reduce_sum3A_263 : f32 to vector<40x128xf32>
        %max3A_288 = arith.maximumf %max3A_287, %slice3A_155 : vector<40x128xf32>
        %min3A_289 = vector.broadcast %reduce_sum3A_272 : f32 to vector<40x128xf32>
        %min3A_290 = arith.minimumf %min3A_289, %slice3A_156 : vector<40x128xf32>
        %min3A_291 = vector.broadcast %reduce_sum3A_281 : f32 to vector<40x128xf32>
        %min3A_292 = arith.minimumf %min3A_291, %slice3A_157 : vector<40x128xf32>
        %sub3A_293 = arith.subf %min3A_290, %max3A_286 : vector<40x128xf32>
        %jit3A_294 = arith.constant 0.000000e+00 : f32
        %max3A_295 = vector.broadcast %jit3A_294 : f32 to vector<40x128xf32>
        %max3A_296 = arith.maximumf %max3A_295, %sub3A_293 : vector<40x128xf32>
        %sub3A_297 = arith.subf %min3A_292, %max3A_288 : vector<40x128xf32>
        %jit3A_298 = arith.constant 0.000000e+00 : f32
        %max3A_299 = vector.broadcast %jit3A_298 : f32 to vector<40x128xf32>
        %max3A_300 = arith.maximumf %max3A_299, %sub3A_297 : vector<40x128xf32>
        %mul3A_301 = arith.mulf %max3A_296, %max3A_300 : vector<40x128xf32>
        %mul3A_302 = arith.constant 1.700000e+00 : f32
        %mul3A_303 = vector.broadcast %mul3A_302 : f32 to vector<40x128xf32>
        %mul3A_304 = arith.mulf %mul3A_301, %mul3A_303 : vector<40x128xf32>
        %mul3A_305 = arith.constant 0.699999988 : f32
        %mul3A_306 = arith.mulf %mul3A_305, %mul3A_284 : f32
        %add3A_307 = vector.broadcast %mul3A_306 : f32 to vector<40x128xf32>
        %add3A_308 = arith.addf %add3A_307, %slice3A_158 : vector<40x128xf32>
        %gt3A_309 = arith.cmpf ogt, %mul3A_304, %add3A_308 : vector<40x128xf32>
        %gt3A_310 = vector.broadcast %scan3A_209 : i32 to vector<40x128xi32>
        %gt3A_311 = arith.cmpi sgt, %slice3A_159, %gt3A_310 : vector<40x128xi32>
        %and3A_312 = arith.andi %gt3A_309, %gt3A_311 : vector<40x128xi1>
        %get3A_313 = arith.constant 32 : index
        %get3A_314 = arith.constant 0 : index
        %get3A_315 = vector.load %arg12[%get3A_313, %get3A_314] : memref<72x128xf32, #tpu.memory_space<vmem>>, vector<40x128xf32>
        %convert_element_type3A_316 = arith.extui %and3A_312 : vector<40x128xi1> to vector<40x128xi32>
        %convert_element_type3A_317 = arith.sitofp %convert_element_type3A_316 : vector<40x128xi32> to vector<40x128xf32>
        %sub3A_318 = arith.constant 1.000000e+00 : f32
        %sub3A_319 = vector.broadcast %sub3A_318 : f32 to vector<40x128xf32>
        %sub3A_320 = arith.subf %sub3A_319, %convert_element_type3A_317 : vector<40x128xf32>
        %mul3A_321 = arith.mulf %get3A_315, %sub3A_320 : vector<40x128xf32>
        %swap3A_322 = arith.constant 32 : index
        %swap3A_323 = arith.constant 0 : index
        %swap3A_324 = vector.load %arg12[%swap3A_322, %swap3A_323] : memref<72x128xf32, #tpu.memory_space<vmem>>, vector<40x128xf32>
        tpu.vector_store %arg12[%swap3A_322, %swap3A_323], %mul3A_321 {strides = array<i32>} : memref<72x128xf32, #tpu.memory_space<vmem>>, vector<40x128xf32>,
      } else {
      }
    }
    %scan3A_164 = arith.constant 1024 : i32
    %slice3A_165 = vector.extract_strided_slice %min3A_55 {offsets = [40, 0], sizes = [32, 128], strides = [1, 1]} : vector<72x128xf32> to vector<32x128xf32>
    %slice3A_166 = vector.extract_strided_slice %min3A_65 {offsets = [40, 0], sizes = [32, 128], strides = [1, 1]} : vector<72x128xf32> to vector<32x128xf32>
    %slice3A_167 = vector.extract_strided_slice %min3A_75 {offsets = [40, 0], sizes = [32, 128], strides = [1, 1]} : vector<72x128xf32> to vector<32x128xf32>
    %slice3A_168 = vector.extract_strided_slice %min3A_85 {offsets = [40, 0], sizes = [32, 128], strides = [1, 1]} : vector<72x128xf32> to vector<32x128xf32>
    %slice3A_169 = vector.extract_strided_slice %mul3A_117 {offsets = [40, 0], sizes = [32, 128], strides = [1, 1]} : vector<72x128xf32> to vector<32x128xf32>
    %slice3A_170 = vector.extract_strided_slice %add3A_113 {offsets = [40, 0], sizes = [32, 128], strides = [1, 1]} : vector<72x128xi32> to vector<32x128xi32>
    %scan3A_171 = arith.constant 5120 : i32
    %scan3A_172 = arith.constant 1024 : i32
    %scan3A_173 = arith.addi %scan3A_171, %scan3A_172 : i32
    %scan3A_174 = arith.constant 1 : i32
    scf.for %scan3A_209 = %scan3A_171 to %scan3A_173 step %scan3A_174  : i32 {
      %jit3A_210 = arith.constant 128 : i32
      %div3A = arith.divsi %scan3A_209, %jit3A_210 : i32
      %sign3A = arith.constant 0 : i32
      %sign3A_211 = arith.cmpi sgt, %scan3A_209, %sign3A : i32
      %sign3A_212 = arith.extui %sign3A_211 : i1 to i32
      %sign3A_213 = arith.constant 0 : i32
      %sign3A_214 = arith.cmpi slt, %scan3A_209, %sign3A_213 : i32
      %sign3A_215 = arith.extui %sign3A_214 : i1 to i32
      %sign3A_216 = arith.subi %sign3A_212, %sign3A_215 : i32
      %sign3A_217 = arith.constant 0 : i32
      %sign3A_218 = arith.cmpi sgt, %jit3A_210, %sign3A_217 : i32
      %sign3A_219 = arith.extui %sign3A_218 : i1 to i32
      %sign3A_220 = arith.constant 0 : i32
      %sign3A_221 = arith.cmpi slt, %jit3A_210, %sign3A_220 : i32
      %sign3A_222 = arith.extui %sign3A_221 : i1 to i32
      %sign3A_223 = arith.subi %sign3A_219, %sign3A_222 : i32
      %ne3A = arith.cmpi ne, %sign3A_216, %sign3A_223 : i32
      %rem3A = arith.remsi %scan3A_209, %jit3A_210 : i32
      %ne3A_224 = arith.constant 0 : i32
      %ne3A_225 = arith.cmpi ne, %rem3A, %ne3A_224 : i32
      %and3A_226 = arith.andi %ne3A, %ne3A_225 : i1
      %sub3A_227 = arith.constant 1 : i32
      %sub3A_228 = arith.subi %div3A, %sub3A_227 : i32
      %select_n3A = arith.select %and3A_226, %sub3A_228, %div3A : i32
      %mul3A_229 = arith.constant 128 : i32
      %mul3A_230 = arith.muli %select_n3A, %mul3A_229 : i32
      %sub3A_231 = arith.subi %scan3A_209, %mul3A_230 : i32
      %eq3A = vector.broadcast %sub3A_231 : i32 to vector<1x128xi32>
      %eq3A_232 = arith.cmpi eq, %iota3A_114, %eq3A : vector<1x128xi32>
      %convert_element_type3A_233 = arith.extui %eq3A_232 : vector<1x128xi1> to vector<1x128xi32>
      %convert_element_type3A_234 = arith.sitofp %convert_element_type3A_233 : vector<1x128xi32> to vector<1x128xf32>
      %get3A_235 = arith.index_cast %select_n3A : i32 to index
      %get3A_236 = arith.constant 0 : index
      %get3A_237 = vector.load %arg12[%get3A_235, %get3A_236] : memref<72x128xf32, #tpu.memory_space<vmem>>, vector<1x128xf32>
      %mul3A_238 = arith.mulf %get3A_237, %convert_element_type3A_234 : vector<1x128xf32>
      %reduce_sum3A = vector.shape_cast %mul3A_238 : vector<1x128xf32> to vector<1x1x128xf32>
      %reduce_sum3A_239 = arith.constant dense<0.000000e+00> : vector<1xf32>
      %reduce_sum3A_240 = vector.multi_reduction <add>, %reduce_sum3A, %reduce_sum3A_239 [1, 2] : vector<1x1x128xf32> to vector<1xf32>
      %reduce_sum3A_241 = vector.shape_cast %reduce_sum3A_240 : vector<1xf32> to vector<1x1x1xf32>
      %reduce_sum3A_242 = vector.extract %reduce_sum3A_241[0, 0, 0] : f32 from vector<1x1x1xf32>
      %gt3A = arith.constant 0.000000e+00 : f32
      %gt3A_243 = arith.cmpf ogt, %reduce_sum3A_242, %gt3A : f32
      %convert_element_type3A_244 = arith.extui %gt3A_243 : i1 to i32
      %cond3A = arith.constant 0 : i32
      %cond3A_245 = arith.cmpi ne, %convert_element_type3A_244, %cond3A : i32
      scf.if %cond3A_245 {
        %get3A_246 = arith.index_cast %select_n3A : i32 to index
        %get3A_247 = arith.constant 0 : index
        %get3A_248 = vector.load %arg8[%get3A_246, %get3A_247] : memref<72x128xf32, #tpu.memory_space<vmem>>, vector<1x128xf32>
        %mul3A_249 = arith.mulf %get3A_248, %convert_element_type3A_234 : vector<1x128xf32>
        %reduce_sum3A_250 = vector.shape_cast %mul3A_249 : vector<1x128xf32> to vector<1x1x128xf32>
        %reduce_sum3A_251 = arith.constant dense<0.000000e+00> : vector<1xf32>
        %reduce_sum3A_252 = vector.multi_reduction <add>, %reduce_sum3A_250, %reduce_sum3A_251 [1, 2] : vector<1x1x128xf32> to vector<1xf32>
        %reduce_sum3A_253 = vector.shape_cast %reduce_sum3A_252 : vector<1xf32> to vector<1x1x1xf32>
        %reduce_sum3A_254 = vector.extract %reduce_sum3A_253[0, 0, 0] : f32 from vector<1x1x1xf32>
        %get3A_255 = arith.index_cast %select_n3A : i32 to index
        %get3A_256 = arith.constant 0 : index
        %get3A_257 = vector.load %arg9[%get3A_255, %get3A_256] : memref<72x128xf32, #tpu.memory_space<vmem>>, vector<1x128xf32>
        %mul3A_258 = arith.mulf %get3A_257, %convert_element_type3A_234 : vector<1x128xf32>
        %reduce_sum3A_259 = vector.shape_cast %mul3A_258 : vector<1x128xf32> to vector<1x1x128xf32>
        %reduce_sum3A_260 = arith.constant dense<0.000000e+00> : vector<1xf32>
        %reduce_sum3A_261 = vector.multi_reduction <add>, %reduce_sum3A_259, %reduce_sum3A_260 [1, 2] : vector<1x1x128xf32> to vector<1xf32>
        %reduce_sum3A_262 = vector.shape_cast %reduce_sum3A_261 : vector<1xf32> to vector<1x1x1xf32>
        %reduce_sum3A_263 = vector.extract %reduce_sum3A_262[0, 0, 0] : f32 from vector<1x1x1xf32>
        %get3A_264 = arith.index_cast %select_n3A : i32 to index
        %get3A_265 = arith.constant 0 : index
        %get3A_266 = vector.load %arg10[%get3A_264, %get3A_265] : memref<72x128xf32, #tpu.memory_space<vmem>>, vector<1x128xf32>
        %mul3A_267 = arith.mulf %get3A_266, %convert_element_type3A_234 : vector<1x128xf32>
        %reduce_sum3A_268 = vector.shape_cast %mul3A_267 : vector<1x128xf32> to vector<1x1x128xf32>
        %reduce_sum3A_269 = arith.constant dense<0.000000e+00> : vector<1xf32>
        %reduce_sum3A_270 = vector.multi_reduction <add>, %reduce_sum3A_268, %reduce_sum3A_269 [1, 2] : vector<1x1x128xf32> to vector<1xf32>
        %reduce_sum3A_271 = vector.shape_cast %reduce_sum3A_270 : vector<1xf32> to vector<1x1x1xf32>
        %reduce_sum3A_272 = vector.extract %reduce_sum3A_271[0, 0, 0] : f32 from vector<1x1x1xf32>
        %get3A_273 = arith.index_cast %select_n3A : i32 to index
        %get3A_274 = arith.constant 0 : index
        %get3A_275 = vector.load %arg11[%get3A_273, %get3A_274] : memref<72x128xf32, #tpu.memory_space<vmem>>, vector<1x128xf32>
        %mul3A_276 = arith.mulf %get3A_275, %convert_element_type3A_234 : vector<1x128xf32>
        %reduce_sum3A_277 = vector.shape_cast %mul3A_276 : vector<1x128xf32> to vector<1x1x128xf32>
        %reduce_sum3A_278 = arith.constant dense<0.000000e+00> : vector<1xf32>
        %reduce_sum3A_279 = vector.multi_reduction <add>, %reduce_sum3A_277, %reduce_sum3A_278 [1, 2] : vector<1x1x128xf32> to vector<1xf32>
        %reduce_sum3A_280 = vector.shape_cast %reduce_sum3A_279 : vector<1xf32> to vector<1x1x1xf32>
        %reduce_sum3A_281 = vector.extract %reduce_sum3A_280[0, 0, 0] : f32 from vector<1x1x1xf32>
        %sub3A_282 = arith.subf %reduce_sum3A_272, %reduce_sum3A_254 : f32
        %sub3A_283 = arith.subf %reduce_sum3A_281, %reduce_sum3A_263 : f32
        %mul3A_284 = arith.mulf %sub3A_282, %sub3A_283 : f32
        %max3A_285 = vector.broadcast %reduce_sum3A_254 : f32 to vector<32x128xf32>
        %max3A_286 = arith.maximumf %max3A_285, %slice3A_165 : vector<32x128xf32>
        %max3A_287 = vector.broadcast %reduce_sum3A_263 : f32 to vector<32x128xf32>
        %max3A_288 = arith.maximumf %max3A_287, %slice3A_166 : vector<32x128xf32>
        %min3A_289 = vector.broadcast %reduce_sum3A_272 : f32 to vector<32x128xf32>
        %min3A_290 = arith.minimumf %min3A_289, %slice3A_167 : vector<32x128xf32>
        %min3A_291 = vector.broadcast %reduce_sum3A_281 : f32 to vector<32x128xf32>
        %min3A_292 = arith.minimumf %min3A_291, %slice3A_168 : vector<32x128xf32>
        %sub3A_293 = arith.subf %min3A_290, %max3A_286 : vector<32x128xf32>
        %jit3A_294 = arith.constant 0.000000e+00 : f32
        %max3A_295 = vector.broadcast %jit3A_294 : f32 to vector<32x128xf32>
        %max3A_296 = arith.maximumf %max3A_295, %sub3A_293 : vector<32x128xf32>
        %sub3A_297 = arith.subf %min3A_292, %max3A_288 : vector<32x128xf32>
        %jit3A_298 = arith.constant 0.000000e+00 : f32
        %max3A_299 = vector.broadcast %jit3A_298 : f32 to vector<32x128xf32>
        %max3A_300 = arith.maximumf %max3A_299, %sub3A_297 : vector<32x128xf32>
        %mul3A_301 = arith.mulf %max3A_296, %max3A_300 : vector<32x128xf32>
        %mul3A_302 = arith.constant 1.700000e+00 : f32
        %mul3A_303 = vector.broadcast %mul3A_302 : f32 to vector<32x128xf32>
        %mul3A_304 = arith.mulf %mul3A_301, %mul3A_303 : vector<32x128xf32>
        %mul3A_305 = arith.constant 0.699999988 : f32
        %mul3A_306 = arith.mulf %mul3A_305, %mul3A_284 : f32
        %add3A_307 = vector.broadcast %mul3A_306 : f32 to vector<32x128xf32>
        %add3A_308 = arith.addf %add3A_307, %slice3A_169 : vector<32x128xf32>
        %gt3A_309 = arith.cmpf ogt, %mul3A_304, %add3A_308 : vector<32x128xf32>
        %gt3A_310 = vector.broadcast %scan3A_209 : i32 to vector<32x128xi32>
        %gt3A_311 = arith.cmpi sgt, %slice3A_170, %gt3A_310 : vector<32x128xi32>
        %and3A_312 = arith.andi %gt3A_309, %gt3A_311 : vector<32x128xi1>
        %get3A_313 = arith.constant 40 : index
        %get3A_314 = arith.constant 0 : index
        %get3A_315 = vector.load %arg12[%get3A_313, %get3A_314] : memref<72x128xf32, #tpu.memory_space<vmem>>, vector<32x128xf32>
        %convert_element_type3A_316 = arith.extui %and3A_312 : vector<32x128xi1> to vector<32x128xi32>
        %convert_element_type3A_317 = arith.sitofp %convert_element_type3A_316 : vector<32x128xi32> to vector<32x128xf32>
        %sub3A_318 = arith.constant 1.000000e+00 : f32
        %sub3A_319 = vector.broadcast %sub3A_318 : f32 to vector<32x128xf32>
        %sub3A_320 = arith.subf %sub3A_319, %convert_element_type3A_317 : vector<32x128xf32>
        %mul3A_321 = arith.mulf %get3A_315, %sub3A_320 : vector<32x128xf32>
        %swap3A_322 = arith.constant 40 : index
        %swap3A_323 = arith.constant 0 : index
        %swap3A_324 = vector.load %arg12[%swap3A_322, %swap3A_323] : memref<72x128xf32, #tpu.memory_space<vmem>>, vector<32x128xf32>
        tpu.vector_store %arg12[%swap3A_322, %swap3A_323], %mul3A_321 {strides = array<i32>} : memref<72x128xf32, #tpu.memory_space<vmem>>, vector<32x128xf32>,
      } else {
      }
    }
    %scan3A_175 = arith.constant 1024 : i32
    %slice3A_176 = vector.extract_strided_slice %min3A_55 {offsets = [48, 0], sizes = [24, 128], strides = [1, 1]} : vector<72x128xf32> to vector<24x128xf32>
    %slice3A_177 = vector.extract_strided_slice %min3A_65 {offsets = [48, 0], sizes = [24, 128], strides = [1, 1]} : vector<72x128xf32> to vector<24x128xf32>
    %slice3A_178 = vector.extract_strided_slice %min3A_75 {offsets = [48, 0], sizes = [24, 128], strides = [1, 1]} : vector<72x128xf32> to vector<24x128xf32>
    %slice3A_179 = vector.extract_strided_slice %min3A_85 {offsets = [48, 0], sizes = [24, 128], strides = [1, 1]} : vector<72x128xf32> to vector<24x128xf32>
    %slice3A_180 = vector.extract_strided_slice %mul3A_117 {offsets = [48, 0], sizes = [24, 128], strides = [1, 1]} : vector<72x128xf32> to vector<24x128xf32>
    %slice3A_181 = vector.extract_strided_slice %add3A_113 {offsets = [48, 0], sizes = [24, 128], strides = [1, 1]} : vector<72x128xi32> to vector<24x128xi32>
    %scan3A_182 = arith.constant 6144 : i32
    %scan3A_183 = arith.constant 1024 : i32
    %scan3A_184 = arith.addi %scan3A_182, %scan3A_183 : i32
    %scan3A_185 = arith.constant 1 : i32
    scf.for %scan3A_209 = %scan3A_182 to %scan3A_184 step %scan3A_185  : i32 {
      %jit3A_210 = arith.constant 128 : i32
      %div3A = arith.divsi %scan3A_209, %jit3A_210 : i32
      %sign3A = arith.constant 0 : i32
      %sign3A_211 = arith.cmpi sgt, %scan3A_209, %sign3A : i32
      %sign3A_212 = arith.extui %sign3A_211 : i1 to i32
      %sign3A_213 = arith.constant 0 : i32
      %sign3A_214 = arith.cmpi slt, %scan3A_209, %sign3A_213 : i32
      %sign3A_215 = arith.extui %sign3A_214 : i1 to i32
      %sign3A_216 = arith.subi %sign3A_212, %sign3A_215 : i32
      %sign3A_217 = arith.constant 0 : i32
      %sign3A_218 = arith.cmpi sgt, %jit3A_210, %sign3A_217 : i32
      %sign3A_219 = arith.extui %sign3A_218 : i1 to i32
      %sign3A_220 = arith.constant 0 : i32
      %sign3A_221 = arith.cmpi slt, %jit3A_210, %sign3A_220 : i32
      %sign3A_222 = arith.extui %sign3A_221 : i1 to i32
      %sign3A_223 = arith.subi %sign3A_219, %sign3A_222 : i32
      %ne3A = arith.cmpi ne, %sign3A_216, %sign3A_223 : i32
      %rem3A = arith.remsi %scan3A_209, %jit3A_210 : i32
      %ne3A_224 = arith.constant 0 : i32
      %ne3A_225 = arith.cmpi ne, %rem3A, %ne3A_224 : i32
      %and3A_226 = arith.andi %ne3A, %ne3A_225 : i1
      %sub3A_227 = arith.constant 1 : i32
      %sub3A_228 = arith.subi %div3A, %sub3A_227 : i32
      %select_n3A = arith.select %and3A_226, %sub3A_228, %div3A : i32
      %mul3A_229 = arith.constant 128 : i32
      %mul3A_230 = arith.muli %select_n3A, %mul3A_229 : i32
      %sub3A_231 = arith.subi %scan3A_209, %mul3A_230 : i32
      %eq3A = vector.broadcast %sub3A_231 : i32 to vector<1x128xi32>
      %eq3A_232 = arith.cmpi eq, %iota3A_114, %eq3A : vector<1x128xi32>
      %convert_element_type3A_233 = arith.extui %eq3A_232 : vector<1x128xi1> to vector<1x128xi32>
      %convert_element_type3A_234 = arith.sitofp %convert_element_type3A_233 : vector<1x128xi32> to vector<1x128xf32>
      %get3A_235 = arith.index_cast %select_n3A : i32 to index
      %get3A_236 = arith.constant 0 : index
      %get3A_237 = vector.load %arg12[%get3A_235, %get3A_236] : memref<72x128xf32, #tpu.memory_space<vmem>>, vector<1x128xf32>
      %mul3A_238 = arith.mulf %get3A_237, %convert_element_type3A_234 : vector<1x128xf32>
      %reduce_sum3A = vector.shape_cast %mul3A_238 : vector<1x128xf32> to vector<1x1x128xf32>
      %reduce_sum3A_239 = arith.constant dense<0.000000e+00> : vector<1xf32>
      %reduce_sum3A_240 = vector.multi_reduction <add>, %reduce_sum3A, %reduce_sum3A_239 [1, 2] : vector<1x1x128xf32> to vector<1xf32>
      %reduce_sum3A_241 = vector.shape_cast %reduce_sum3A_240 : vector<1xf32> to vector<1x1x1xf32>
      %reduce_sum3A_242 = vector.extract %reduce_sum3A_241[0, 0, 0] : f32 from vector<1x1x1xf32>
      %gt3A = arith.constant 0.000000e+00 : f32
      %gt3A_243 = arith.cmpf ogt, %reduce_sum3A_242, %gt3A : f32
      %convert_element_type3A_244 = arith.extui %gt3A_243 : i1 to i32
      %cond3A = arith.constant 0 : i32
      %cond3A_245 = arith.cmpi ne, %convert_element_type3A_244, %cond3A : i32
      scf.if %cond3A_245 {
        %get3A_246 = arith.index_cast %select_n3A : i32 to index
        %get3A_247 = arith.constant 0 : index
        %get3A_248 = vector.load %arg8[%get3A_246, %get3A_247] : memref<72x128xf32, #tpu.memory_space<vmem>>, vector<1x128xf32>
        %mul3A_249 = arith.mulf %get3A_248, %convert_element_type3A_234 : vector<1x128xf32>
        %reduce_sum3A_250 = vector.shape_cast %mul3A_249 : vector<1x128xf32> to vector<1x1x128xf32>
        %reduce_sum3A_251 = arith.constant dense<0.000000e+00> : vector<1xf32>
        %reduce_sum3A_252 = vector.multi_reduction <add>, %reduce_sum3A_250, %reduce_sum3A_251 [1, 2] : vector<1x1x128xf32> to vector<1xf32>
        %reduce_sum3A_253 = vector.shape_cast %reduce_sum3A_252 : vector<1xf32> to vector<1x1x1xf32>
        %reduce_sum3A_254 = vector.extract %reduce_sum3A_253[0, 0, 0] : f32 from vector<1x1x1xf32>
        %get3A_255 = arith.index_cast %select_n3A : i32 to index
        %get3A_256 = arith.constant 0 : index
        %get3A_257 = vector.load %arg9[%get3A_255, %get3A_256] : memref<72x128xf32, #tpu.memory_space<vmem>>, vector<1x128xf32>
        %mul3A_258 = arith.mulf %get3A_257, %convert_element_type3A_234 : vector<1x128xf32>
        %reduce_sum3A_259 = vector.shape_cast %mul3A_258 : vector<1x128xf32> to vector<1x1x128xf32>
        %reduce_sum3A_260 = arith.constant dense<0.000000e+00> : vector<1xf32>
        %reduce_sum3A_261 = vector.multi_reduction <add>, %reduce_sum3A_259, %reduce_sum3A_260 [1, 2] : vector<1x1x128xf32> to vector<1xf32>
        %reduce_sum3A_262 = vector.shape_cast %reduce_sum3A_261 : vector<1xf32> to vector<1x1x1xf32>
        %reduce_sum3A_263 = vector.extract %reduce_sum3A_262[0, 0, 0] : f32 from vector<1x1x1xf32>
        %get3A_264 = arith.index_cast %select_n3A : i32 to index
        %get3A_265 = arith.constant 0 : index
        %get3A_266 = vector.load %arg10[%get3A_264, %get3A_265] : memref<72x128xf32, #tpu.memory_space<vmem>>, vector<1x128xf32>
        %mul3A_267 = arith.mulf %get3A_266, %convert_element_type3A_234 : vector<1x128xf32>
        %reduce_sum3A_268 = vector.shape_cast %mul3A_267 : vector<1x128xf32> to vector<1x1x128xf32>
        %reduce_sum3A_269 = arith.constant dense<0.000000e+00> : vector<1xf32>
        %reduce_sum3A_270 = vector.multi_reduction <add>, %reduce_sum3A_268, %reduce_sum3A_269 [1, 2] : vector<1x1x128xf32> to vector<1xf32>
        %reduce_sum3A_271 = vector.shape_cast %reduce_sum3A_270 : vector<1xf32> to vector<1x1x1xf32>
        %reduce_sum3A_272 = vector.extract %reduce_sum3A_271[0, 0, 0] : f32 from vector<1x1x1xf32>
        %get3A_273 = arith.index_cast %select_n3A : i32 to index
        %get3A_274 = arith.constant 0 : index
        %get3A_275 = vector.load %arg11[%get3A_273, %get3A_274] : memref<72x128xf32, #tpu.memory_space<vmem>>, vector<1x128xf32>
        %mul3A_276 = arith.mulf %get3A_275, %convert_element_type3A_234 : vector<1x128xf32>
        %reduce_sum3A_277 = vector.shape_cast %mul3A_276 : vector<1x128xf32> to vector<1x1x128xf32>
        %reduce_sum3A_278 = arith.constant dense<0.000000e+00> : vector<1xf32>
        %reduce_sum3A_279 = vector.multi_reduction <add>, %reduce_sum3A_277, %reduce_sum3A_278 [1, 2] : vector<1x1x128xf32> to vector<1xf32>
        %reduce_sum3A_280 = vector.shape_cast %reduce_sum3A_279 : vector<1xf32> to vector<1x1x1xf32>
        %reduce_sum3A_281 = vector.extract %reduce_sum3A_280[0, 0, 0] : f32 from vector<1x1x1xf32>
        %sub3A_282 = arith.subf %reduce_sum3A_272, %reduce_sum3A_254 : f32
        %sub3A_283 = arith.subf %reduce_sum3A_281, %reduce_sum3A_263 : f32
        %mul3A_284 = arith.mulf %sub3A_282, %sub3A_283 : f32
        %max3A_285 = vector.broadcast %reduce_sum3A_254 : f32 to vector<24x128xf32>
        %max3A_286 = arith.maximumf %max3A_285, %slice3A_176 : vector<24x128xf32>
        %max3A_287 = vector.broadcast %reduce_sum3A_263 : f32 to vector<24x128xf32>
        %max3A_288 = arith.maximumf %max3A_287, %slice3A_177 : vector<24x128xf32>
        %min3A_289 = vector.broadcast %reduce_sum3A_272 : f32 to vector<24x128xf32>
        %min3A_290 = arith.minimumf %min3A_289, %slice3A_178 : vector<24x128xf32>
        %min3A_291 = vector.broadcast %reduce_sum3A_281 : f32 to vector<24x128xf32>
        %min3A_292 = arith.minimumf %min3A_291, %slice3A_179 : vector<24x128xf32>
        %sub3A_293 = arith.subf %min3A_290, %max3A_286 : vector<24x128xf32>
        %jit3A_294 = arith.constant 0.000000e+00 : f32
        %max3A_295 = vector.broadcast %jit3A_294 : f32 to vector<24x128xf32>
        %max3A_296 = arith.maximumf %max3A_295, %sub3A_293 : vector<24x128xf32>
        %sub3A_297 = arith.subf %min3A_292, %max3A_288 : vector<24x128xf32>
        %jit3A_298 = arith.constant 0.000000e+00 : f32
        %max3A_299 = vector.broadcast %jit3A_298 : f32 to vector<24x128xf32>
        %max3A_300 = arith.maximumf %max3A_299, %sub3A_297 : vector<24x128xf32>
        %mul3A_301 = arith.mulf %max3A_296, %max3A_300 : vector<24x128xf32>
        %mul3A_302 = arith.constant 1.700000e+00 : f32
        %mul3A_303 = vector.broadcast %mul3A_302 : f32 to vector<24x128xf32>
        %mul3A_304 = arith.mulf %mul3A_301, %mul3A_303 : vector<24x128xf32>
        %mul3A_305 = arith.constant 0.699999988 : f32
        %mul3A_306 = arith.mulf %mul3A_305, %mul3A_284 : f32
        %add3A_307 = vector.broadcast %mul3A_306 : f32 to vector<24x128xf32>
        %add3A_308 = arith.addf %add3A_307, %slice3A_180 : vector<24x128xf32>
        %gt3A_309 = arith.cmpf ogt, %mul3A_304, %add3A_308 : vector<24x128xf32>
        %gt3A_310 = vector.broadcast %scan3A_209 : i32 to vector<24x128xi32>
        %gt3A_311 = arith.cmpi sgt, %slice3A_181, %gt3A_310 : vector<24x128xi32>
        %and3A_312 = arith.andi %gt3A_309, %gt3A_311 : vector<24x128xi1>
        %get3A_313 = arith.constant 48 : index
        %get3A_314 = arith.constant 0 : index
        %get3A_315 = vector.load %arg12[%get3A_313, %get3A_314] : memref<72x128xf32, #tpu.memory_space<vmem>>, vector<24x128xf32>
        %convert_element_type3A_316 = arith.extui %and3A_312 : vector<24x128xi1> to vector<24x128xi32>
        %convert_element_type3A_317 = arith.sitofp %convert_element_type3A_316 : vector<24x128xi32> to vector<24x128xf32>
        %sub3A_318 = arith.constant 1.000000e+00 : f32
        %sub3A_319 = vector.broadcast %sub3A_318 : f32 to vector<24x128xf32>
        %sub3A_320 = arith.subf %sub3A_319, %convert_element_type3A_317 : vector<24x128xf32>
        %mul3A_321 = arith.mulf %get3A_315, %sub3A_320 : vector<24x128xf32>
        %swap3A_322 = arith.constant 48 : index
        %swap3A_323 = arith.constant 0 : index
        %swap3A_324 = vector.load %arg12[%swap3A_322, %swap3A_323] : memref<72x128xf32, #tpu.memory_space<vmem>>, vector<24x128xf32>
        tpu.vector_store %arg12[%swap3A_322, %swap3A_323], %mul3A_321 {strides = array<i32>} : memref<72x128xf32, #tpu.memory_space<vmem>>, vector<24x128xf32>,
      } else {
      }
    }
    %scan3A_186 = arith.constant 1024 : i32
    %slice3A_187 = vector.extract_strided_slice %min3A_55 {offsets = [56, 0], sizes = [16, 128], strides = [1, 1]} : vector<72x128xf32> to vector<16x128xf32>
    %slice3A_188 = vector.extract_strided_slice %min3A_65 {offsets = [56, 0], sizes = [16, 128], strides = [1, 1]} : vector<72x128xf32> to vector<16x128xf32>
    %slice3A_189 = vector.extract_strided_slice %min3A_75 {offsets = [56, 0], sizes = [16, 128], strides = [1, 1]} : vector<72x128xf32> to vector<16x128xf32>
    %slice3A_190 = vector.extract_strided_slice %min3A_85 {offsets = [56, 0], sizes = [16, 128], strides = [1, 1]} : vector<72x128xf32> to vector<16x128xf32>
    %slice3A_191 = vector.extract_strided_slice %mul3A_117 {offsets = [56, 0], sizes = [16, 128], strides = [1, 1]} : vector<72x128xf32> to vector<16x128xf32>
    %slice3A_192 = vector.extract_strided_slice %add3A_113 {offsets = [56, 0], sizes = [16, 128], strides = [1, 1]} : vector<72x128xi32> to vector<16x128xi32>
    %scan3A_193 = arith.constant 7168 : i32
    %scan3A_194 = arith.constant 1024 : i32
    %scan3A_195 = arith.addi %scan3A_193, %scan3A_194 : i32
    %scan3A_196 = arith.constant 1 : i32
    scf.for %scan3A_209 = %scan3A_193 to %scan3A_195 step %scan3A_196  : i32 {
      %jit3A_210 = arith.constant 128 : i32
      %div3A = arith.divsi %scan3A_209, %jit3A_210 : i32
      %sign3A = arith.constant 0 : i32
      %sign3A_211 = arith.cmpi sgt, %scan3A_209, %sign3A : i32
      %sign3A_212 = arith.extui %sign3A_211 : i1 to i32
      %sign3A_213 = arith.constant 0 : i32
      %sign3A_214 = arith.cmpi slt, %scan3A_209, %sign3A_213 : i32
      %sign3A_215 = arith.extui %sign3A_214 : i1 to i32
      %sign3A_216 = arith.subi %sign3A_212, %sign3A_215 : i32
      %sign3A_217 = arith.constant 0 : i32
      %sign3A_218 = arith.cmpi sgt, %jit3A_210, %sign3A_217 : i32
      %sign3A_219 = arith.extui %sign3A_218 : i1 to i32
      %sign3A_220 = arith.constant 0 : i32
      %sign3A_221 = arith.cmpi slt, %jit3A_210, %sign3A_220 : i32
      %sign3A_222 = arith.extui %sign3A_221 : i1 to i32
      %sign3A_223 = arith.subi %sign3A_219, %sign3A_222 : i32
      %ne3A = arith.cmpi ne, %sign3A_216, %sign3A_223 : i32
      %rem3A = arith.remsi %scan3A_209, %jit3A_210 : i32
      %ne3A_224 = arith.constant 0 : i32
      %ne3A_225 = arith.cmpi ne, %rem3A, %ne3A_224 : i32
      %and3A_226 = arith.andi %ne3A, %ne3A_225 : i1
      %sub3A_227 = arith.constant 1 : i32
      %sub3A_228 = arith.subi %div3A, %sub3A_227 : i32
      %select_n3A = arith.select %and3A_226, %sub3A_228, %div3A : i32
      %mul3A_229 = arith.constant 128 : i32
      %mul3A_230 = arith.muli %select_n3A, %mul3A_229 : i32
      %sub3A_231 = arith.subi %scan3A_209, %mul3A_230 : i32
      %eq3A = vector.broadcast %sub3A_231 : i32 to vector<1x128xi32>
      %eq3A_232 = arith.cmpi eq, %iota3A_114, %eq3A : vector<1x128xi32>
      %convert_element_type3A_233 = arith.extui %eq3A_232 : vector<1x128xi1> to vector<1x128xi32>
      %convert_element_type3A_234 = arith.sitofp %convert_element_type3A_233 : vector<1x128xi32> to vector<1x128xf32>
      %get3A_235 = arith.index_cast %select_n3A : i32 to index
      %get3A_236 = arith.constant 0 : index
      %get3A_237 = vector.load %arg12[%get3A_235, %get3A_236] : memref<72x128xf32, #tpu.memory_space<vmem>>, vector<1x128xf32>
      %mul3A_238 = arith.mulf %get3A_237, %convert_element_type3A_234 : vector<1x128xf32>
      %reduce_sum3A = vector.shape_cast %mul3A_238 : vector<1x128xf32> to vector<1x1x128xf32>
      %reduce_sum3A_239 = arith.constant dense<0.000000e+00> : vector<1xf32>
      %reduce_sum3A_240 = vector.multi_reduction <add>, %reduce_sum3A, %reduce_sum3A_239 [1, 2] : vector<1x1x128xf32> to vector<1xf32>
      %reduce_sum3A_241 = vector.shape_cast %reduce_sum3A_240 : vector<1xf32> to vector<1x1x1xf32>
      %reduce_sum3A_242 = vector.extract %reduce_sum3A_241[0, 0, 0] : f32 from vector<1x1x1xf32>
      %gt3A = arith.constant 0.000000e+00 : f32
      %gt3A_243 = arith.cmpf ogt, %reduce_sum3A_242, %gt3A : f32
      %convert_element_type3A_244 = arith.extui %gt3A_243 : i1 to i32
      %cond3A = arith.constant 0 : i32
      %cond3A_245 = arith.cmpi ne, %convert_element_type3A_244, %cond3A : i32
      scf.if %cond3A_245 {
        %get3A_246 = arith.index_cast %select_n3A : i32 to index
        %get3A_247 = arith.constant 0 : index
        %get3A_248 = vector.load %arg8[%get3A_246, %get3A_247] : memref<72x128xf32, #tpu.memory_space<vmem>>, vector<1x128xf32>
        %mul3A_249 = arith.mulf %get3A_248, %convert_element_type3A_234 : vector<1x128xf32>
        %reduce_sum3A_250 = vector.shape_cast %mul3A_249 : vector<1x128xf32> to vector<1x1x128xf32>
        %reduce_sum3A_251 = arith.constant dense<0.000000e+00> : vector<1xf32>
        %reduce_sum3A_252 = vector.multi_reduction <add>, %reduce_sum3A_250, %reduce_sum3A_251 [1, 2] : vector<1x1x128xf32> to vector<1xf32>
        %reduce_sum3A_253 = vector.shape_cast %reduce_sum3A_252 : vector<1xf32> to vector<1x1x1xf32>
        %reduce_sum3A_254 = vector.extract %reduce_sum3A_253[0, 0, 0] : f32 from vector<1x1x1xf32>
        %get3A_255 = arith.index_cast %select_n3A : i32 to index
        %get3A_256 = arith.constant 0 : index
        %get3A_257 = vector.load %arg9[%get3A_255, %get3A_256] : memref<72x128xf32, #tpu.memory_space<vmem>>, vector<1x128xf32>
        %mul3A_258 = arith.mulf %get3A_257, %convert_element_type3A_234 : vector<1x128xf32>
        %reduce_sum3A_259 = vector.shape_cast %mul3A_258 : vector<1x128xf32> to vector<1x1x128xf32>
        %reduce_sum3A_260 = arith.constant dense<0.000000e+00> : vector<1xf32>
        %reduce_sum3A_261 = vector.multi_reduction <add>, %reduce_sum3A_259, %reduce_sum3A_260 [1, 2] : vector<1x1x128xf32> to vector<1xf32>
        %reduce_sum3A_262 = vector.shape_cast %reduce_sum3A_261 : vector<1xf32> to vector<1x1x1xf32>
        %reduce_sum3A_263 = vector.extract %reduce_sum3A_262[0, 0, 0] : f32 from vector<1x1x1xf32>
        %get3A_264 = arith.index_cast %select_n3A : i32 to index
        %get3A_265 = arith.constant 0 : index
        %get3A_266 = vector.load %arg10[%get3A_264, %get3A_265] : memref<72x128xf32, #tpu.memory_space<vmem>>, vector<1x128xf32>
        %mul3A_267 = arith.mulf %get3A_266, %convert_element_type3A_234 : vector<1x128xf32>
        %reduce_sum3A_268 = vector.shape_cast %mul3A_267 : vector<1x128xf32> to vector<1x1x128xf32>
        %reduce_sum3A_269 = arith.constant dense<0.000000e+00> : vector<1xf32>
        %reduce_sum3A_270 = vector.multi_reduction <add>, %reduce_sum3A_268, %reduce_sum3A_269 [1, 2] : vector<1x1x128xf32> to vector<1xf32>
        %reduce_sum3A_271 = vector.shape_cast %reduce_sum3A_270 : vector<1xf32> to vector<1x1x1xf32>
        %reduce_sum3A_272 = vector.extract %reduce_sum3A_271[0, 0, 0] : f32 from vector<1x1x1xf32>
        %get3A_273 = arith.index_cast %select_n3A : i32 to index
        %get3A_274 = arith.constant 0 : index
        %get3A_275 = vector.load %arg11[%get3A_273, %get3A_274] : memref<72x128xf32, #tpu.memory_space<vmem>>, vector<1x128xf32>
        %mul3A_276 = arith.mulf %get3A_275, %convert_element_type3A_234 : vector<1x128xf32>
        %reduce_sum3A_277 = vector.shape_cast %mul3A_276 : vector<1x128xf32> to vector<1x1x128xf32>
        %reduce_sum3A_278 = arith.constant dense<0.000000e+00> : vector<1xf32>
        %reduce_sum3A_279 = vector.multi_reduction <add>, %reduce_sum3A_277, %reduce_sum3A_278 [1, 2] : vector<1x1x128xf32> to vector<1xf32>
        %reduce_sum3A_280 = vector.shape_cast %reduce_sum3A_279 : vector<1xf32> to vector<1x1x1xf32>
        %reduce_sum3A_281 = vector.extract %reduce_sum3A_280[0, 0, 0] : f32 from vector<1x1x1xf32>
        %sub3A_282 = arith.subf %reduce_sum3A_272, %reduce_sum3A_254 : f32
        %sub3A_283 = arith.subf %reduce_sum3A_281, %reduce_sum3A_263 : f32
        %mul3A_284 = arith.mulf %sub3A_282, %sub3A_283 : f32
        %max3A_285 = vector.broadcast %reduce_sum3A_254 : f32 to vector<16x128xf32>
        %max3A_286 = arith.maximumf %max3A_285, %slice3A_187 : vector<16x128xf32>
        %max3A_287 = vector.broadcast %reduce_sum3A_263 : f32 to vector<16x128xf32>
        %max3A_288 = arith.maximumf %max3A_287, %slice3A_188 : vector<16x128xf32>
        %min3A_289 = vector.broadcast %reduce_sum3A_272 : f32 to vector<16x128xf32>
        %min3A_290 = arith.minimumf %min3A_289, %slice3A_189 : vector<16x128xf32>
        %min3A_291 = vector.broadcast %reduce_sum3A_281 : f32 to vector<16x128xf32>
        %min3A_292 = arith.minimumf %min3A_291, %slice3A_190 : vector<16x128xf32>
        %sub3A_293 = arith.subf %min3A_290, %max3A_286 : vector<16x128xf32>
        %jit3A_294 = arith.constant 0.000000e+00 : f32
        %max3A_295 = vector.broadcast %jit3A_294 : f32 to vector<16x128xf32>
        %max3A_296 = arith.maximumf %max3A_295, %sub3A_293 : vector<16x128xf32>
        %sub3A_297 = arith.subf %min3A_292, %max3A_288 : vector<16x128xf32>
        %jit3A_298 = arith.constant 0.000000e+00 : f32
        %max3A_299 = vector.broadcast %jit3A_298 : f32 to vector<16x128xf32>
        %max3A_300 = arith.maximumf %max3A_299, %sub3A_297 : vector<16x128xf32>
        %mul3A_301 = arith.mulf %max3A_296, %max3A_300 : vector<16x128xf32>
        %mul3A_302 = arith.constant 1.700000e+00 : f32
        %mul3A_303 = vector.broadcast %mul3A_302 : f32 to vector<16x128xf32>
        %mul3A_304 = arith.mulf %mul3A_301, %mul3A_303 : vector<16x128xf32>
        %mul3A_305 = arith.constant 0.699999988 : f32
        %mul3A_306 = arith.mulf %mul3A_305, %mul3A_284 : f32
        %add3A_307 = vector.broadcast %mul3A_306 : f32 to vector<16x128xf32>
        %add3A_308 = arith.addf %add3A_307, %slice3A_191 : vector<16x128xf32>
        %gt3A_309 = arith.cmpf ogt, %mul3A_304, %add3A_308 : vector<16x128xf32>
        %gt3A_310 = vector.broadcast %scan3A_209 : i32 to vector<16x128xi32>
        %gt3A_311 = arith.cmpi sgt, %slice3A_192, %gt3A_310 : vector<16x128xi32>
        %and3A_312 = arith.andi %gt3A_309, %gt3A_311 : vector<16x128xi1>
        %get3A_313 = arith.constant 56 : index
        %get3A_314 = arith.constant 0 : index
        %get3A_315 = vector.load %arg12[%get3A_313, %get3A_314] : memref<72x128xf32, #tpu.memory_space<vmem>>, vector<16x128xf32>
        %convert_element_type3A_316 = arith.extui %and3A_312 : vector<16x128xi1> to vector<16x128xi32>
        %convert_element_type3A_317 = arith.sitofp %convert_element_type3A_316 : vector<16x128xi32> to vector<16x128xf32>
        %sub3A_318 = arith.constant 1.000000e+00 : f32
        %sub3A_319 = vector.broadcast %sub3A_318 : f32 to vector<16x128xf32>
        %sub3A_320 = arith.subf %sub3A_319, %convert_element_type3A_317 : vector<16x128xf32>
        %mul3A_321 = arith.mulf %get3A_315, %sub3A_320 : vector<16x128xf32>
        %swap3A_322 = arith.constant 56 : index
        %swap3A_323 = arith.constant 0 : index
        %swap3A_324 = vector.load %arg12[%swap3A_322, %swap3A_323] : memref<72x128xf32, #tpu.memory_space<vmem>>, vector<16x128xf32>
        tpu.vector_store %arg12[%swap3A_322, %swap3A_323], %mul3A_321 {strides = array<i32>} : memref<72x128xf32, #tpu.memory_space<vmem>>, vector<16x128xf32>,
      } else {
      }
    }
    %scan3A_197 = arith.constant 1024 : i32
    %slice3A_198 = vector.extract_strided_slice %min3A_55 {offsets = [64, 0], sizes = [8, 128], strides = [1, 1]} : vector<72x128xf32> to vector<8x128xf32>
    %slice3A_199 = vector.extract_strided_slice %min3A_65 {offsets = [64, 0], sizes = [8, 128], strides = [1, 1]} : vector<72x128xf32> to vector<8x128xf32>
    %slice3A_200 = vector.extract_strided_slice %min3A_75 {offsets = [64, 0], sizes = [8, 128], strides = [1, 1]} : vector<72x128xf32> to vector<8x128xf32>
    %slice3A_201 = vector.extract_strided_slice %min3A_85 {offsets = [64, 0], sizes = [8, 128], strides = [1, 1]} : vector<72x128xf32> to vector<8x128xf32>
    %slice3A_202 = vector.extract_strided_slice %mul3A_117 {offsets = [64, 0], sizes = [8, 128], strides = [1, 1]} : vector<72x128xf32> to vector<8x128xf32>
    %slice3A_203 = vector.extract_strided_slice %add3A_113 {offsets = [64, 0], sizes = [8, 128], strides = [1, 1]} : vector<72x128xi32> to vector<8x128xi32>
    %scan3A_204 = arith.constant 8192 : i32
    %scan3A_205 = arith.constant 1024 : i32
    %scan3A_206 = arith.addi %scan3A_204, %scan3A_205 : i32
    %scan3A_207 = arith.constant 1 : i32
    scf.for %scan3A_209 = %scan3A_204 to %scan3A_206 step %scan3A_207  : i32 {
      %jit3A_210 = arith.constant 128 : i32
      %div3A = arith.divsi %scan3A_209, %jit3A_210 : i32
      %sign3A = arith.constant 0 : i32
      %sign3A_211 = arith.cmpi sgt, %scan3A_209, %sign3A : i32
      %sign3A_212 = arith.extui %sign3A_211 : i1 to i32
      %sign3A_213 = arith.constant 0 : i32
      %sign3A_214 = arith.cmpi slt, %scan3A_209, %sign3A_213 : i32
      %sign3A_215 = arith.extui %sign3A_214 : i1 to i32
      %sign3A_216 = arith.subi %sign3A_212, %sign3A_215 : i32
      %sign3A_217 = arith.constant 0 : i32
      %sign3A_218 = arith.cmpi sgt, %jit3A_210, %sign3A_217 : i32
      %sign3A_219 = arith.extui %sign3A_218 : i1 to i32
      %sign3A_220 = arith.constant 0 : i32
      %sign3A_221 = arith.cmpi slt, %jit3A_210, %sign3A_220 : i32
      %sign3A_222 = arith.extui %sign3A_221 : i1 to i32
      %sign3A_223 = arith.subi %sign3A_219, %sign3A_222 : i32
      %ne3A = arith.cmpi ne, %sign3A_216, %sign3A_223 : i32
      %rem3A = arith.remsi %scan3A_209, %jit3A_210 : i32
      %ne3A_224 = arith.constant 0 : i32
      %ne3A_225 = arith.cmpi ne, %rem3A, %ne3A_224 : i32
      %and3A_226 = arith.andi %ne3A, %ne3A_225 : i1
      %sub3A_227 = arith.constant 1 : i32
      %sub3A_228 = arith.subi %div3A, %sub3A_227 : i32
      %select_n3A = arith.select %and3A_226, %sub3A_228, %div3A : i32
      %mul3A_229 = arith.constant 128 : i32
      %mul3A_230 = arith.muli %select_n3A, %mul3A_229 : i32
      %sub3A_231 = arith.subi %scan3A_209, %mul3A_230 : i32
      %eq3A = vector.broadcast %sub3A_231 : i32 to vector<1x128xi32>
      %eq3A_232 = arith.cmpi eq, %iota3A_114, %eq3A : vector<1x128xi32>
      %convert_element_type3A_233 = arith.extui %eq3A_232 : vector<1x128xi1> to vector<1x128xi32>
      %convert_element_type3A_234 = arith.sitofp %convert_element_type3A_233 : vector<1x128xi32> to vector<1x128xf32>
      %get3A_235 = arith.index_cast %select_n3A : i32 to index
      %get3A_236 = arith.constant 0 : index
      %get3A_237 = vector.load %arg12[%get3A_235, %get3A_236] : memref<72x128xf32, #tpu.memory_space<vmem>>, vector<1x128xf32>
      %mul3A_238 = arith.mulf %get3A_237, %convert_element_type3A_234 : vector<1x128xf32>
      %reduce_sum3A = vector.shape_cast %mul3A_238 : vector<1x128xf32> to vector<1x1x128xf32>
      %reduce_sum3A_239 = arith.constant dense<0.000000e+00> : vector<1xf32>
      %reduce_sum3A_240 = vector.multi_reduction <add>, %reduce_sum3A, %reduce_sum3A_239 [1, 2] : vector<1x1x128xf32> to vector<1xf32>
      %reduce_sum3A_241 = vector.shape_cast %reduce_sum3A_240 : vector<1xf32> to vector<1x1x1xf32>
      %reduce_sum3A_242 = vector.extract %reduce_sum3A_241[0, 0, 0] : f32 from vector<1x1x1xf32>
      %gt3A = arith.constant 0.000000e+00 : f32
      %gt3A_243 = arith.cmpf ogt, %reduce_sum3A_242, %gt3A : f32
      %convert_element_type3A_244 = arith.extui %gt3A_243 : i1 to i32
      %cond3A = arith.constant 0 : i32
      %cond3A_245 = arith.cmpi ne, %convert_element_type3A_244, %cond3A : i32
      scf.if %cond3A_245 {
        %get3A_246 = arith.index_cast %select_n3A : i32 to index
        %get3A_247 = arith.constant 0 : index
        %get3A_248 = vector.load %arg8[%get3A_246, %get3A_247] : memref<72x128xf32, #tpu.memory_space<vmem>>, vector<1x128xf32>
        %mul3A_249 = arith.mulf %get3A_248, %convert_element_type3A_234 : vector<1x128xf32>
        %reduce_sum3A_250 = vector.shape_cast %mul3A_249 : vector<1x128xf32> to vector<1x1x128xf32>
        %reduce_sum3A_251 = arith.constant dense<0.000000e+00> : vector<1xf32>
        %reduce_sum3A_252 = vector.multi_reduction <add>, %reduce_sum3A_250, %reduce_sum3A_251 [1, 2] : vector<1x1x128xf32> to vector<1xf32>
        %reduce_sum3A_253 = vector.shape_cast %reduce_sum3A_252 : vector<1xf32> to vector<1x1x1xf32>
        %reduce_sum3A_254 = vector.extract %reduce_sum3A_253[0, 0, 0] : f32 from vector<1x1x1xf32>
        %get3A_255 = arith.index_cast %select_n3A : i32 to index
        %get3A_256 = arith.constant 0 : index
        %get3A_257 = vector.load %arg9[%get3A_255, %get3A_256] : memref<72x128xf32, #tpu.memory_space<vmem>>, vector<1x128xf32>
        %mul3A_258 = arith.mulf %get3A_257, %convert_element_type3A_234 : vector<1x128xf32>
        %reduce_sum3A_259 = vector.shape_cast %mul3A_258 : vector<1x128xf32> to vector<1x1x128xf32>
        %reduce_sum3A_260 = arith.constant dense<0.000000e+00> : vector<1xf32>
        %reduce_sum3A_261 = vector.multi_reduction <add>, %reduce_sum3A_259, %reduce_sum3A_260 [1, 2] : vector<1x1x128xf32> to vector<1xf32>
        %reduce_sum3A_262 = vector.shape_cast %reduce_sum3A_261 : vector<1xf32> to vector<1x1x1xf32>
        %reduce_sum3A_263 = vector.extract %reduce_sum3A_262[0, 0, 0] : f32 from vector<1x1x1xf32>
        %get3A_264 = arith.index_cast %select_n3A : i32 to index
        %get3A_265 = arith.constant 0 : index
        %get3A_266 = vector.load %arg10[%get3A_264, %get3A_265] : memref<72x128xf32, #tpu.memory_space<vmem>>, vector<1x128xf32>
        %mul3A_267 = arith.mulf %get3A_266, %convert_element_type3A_234 : vector<1x128xf32>
        %reduce_sum3A_268 = vector.shape_cast %mul3A_267 : vector<1x128xf32> to vector<1x1x128xf32>
        %reduce_sum3A_269 = arith.constant dense<0.000000e+00> : vector<1xf32>
        %reduce_sum3A_270 = vector.multi_reduction <add>, %reduce_sum3A_268, %reduce_sum3A_269 [1, 2] : vector<1x1x128xf32> to vector<1xf32>
        %reduce_sum3A_271 = vector.shape_cast %reduce_sum3A_270 : vector<1xf32> to vector<1x1x1xf32>
        %reduce_sum3A_272 = vector.extract %reduce_sum3A_271[0, 0, 0] : f32 from vector<1x1x1xf32>
        %get3A_273 = arith.index_cast %select_n3A : i32 to index
        %get3A_274 = arith.constant 0 : index
        %get3A_275 = vector.load %arg11[%get3A_273, %get3A_274] : memref<72x128xf32, #tpu.memory_space<vmem>>, vector<1x128xf32>
        %mul3A_276 = arith.mulf %get3A_275, %convert_element_type3A_234 : vector<1x128xf32>
        %reduce_sum3A_277 = vector.shape_cast %mul3A_276 : vector<1x128xf32> to vector<1x1x128xf32>
        %reduce_sum3A_278 = arith.constant dense<0.000000e+00> : vector<1xf32>
        %reduce_sum3A_279 = vector.multi_reduction <add>, %reduce_sum3A_277, %reduce_sum3A_278 [1, 2] : vector<1x1x128xf32> to vector<1xf32>
        %reduce_sum3A_280 = vector.shape_cast %reduce_sum3A_279 : vector<1xf32> to vector<1x1x1xf32>
        %reduce_sum3A_281 = vector.extract %reduce_sum3A_280[0, 0, 0] : f32 from vector<1x1x1xf32>
        %sub3A_282 = arith.subf %reduce_sum3A_272, %reduce_sum3A_254 : f32
        %sub3A_283 = arith.subf %reduce_sum3A_281, %reduce_sum3A_263 : f32
        %mul3A_284 = arith.mulf %sub3A_282, %sub3A_283 : f32
        %max3A_285 = vector.broadcast %reduce_sum3A_254 : f32 to vector<8x128xf32>
        %max3A_286 = arith.maximumf %max3A_285, %slice3A_198 : vector<8x128xf32>
        %max3A_287 = vector.broadcast %reduce_sum3A_263 : f32 to vector<8x128xf32>
        %max3A_288 = arith.maximumf %max3A_287, %slice3A_199 : vector<8x128xf32>
        %min3A_289 = vector.broadcast %reduce_sum3A_272 : f32 to vector<8x128xf32>
        %min3A_290 = arith.minimumf %min3A_289, %slice3A_200 : vector<8x128xf32>
        %min3A_291 = vector.broadcast %reduce_sum3A_281 : f32 to vector<8x128xf32>
        %min3A_292 = arith.minimumf %min3A_291, %slice3A_201 : vector<8x128xf32>
        %sub3A_293 = arith.subf %min3A_290, %max3A_286 : vector<8x128xf32>
        %jit3A_294 = arith.constant 0.000000e+00 : f32
        %max3A_295 = vector.broadcast %jit3A_294 : f32 to vector<8x128xf32>
        %max3A_296 = arith.maximumf %max3A_295, %sub3A_293 : vector<8x128xf32>
        %sub3A_297 = arith.subf %min3A_292, %max3A_288 : vector<8x128xf32>
        %jit3A_298 = arith.constant 0.000000e+00 : f32
        %max3A_299 = vector.broadcast %jit3A_298 : f32 to vector<8x128xf32>
        %max3A_300 = arith.maximumf %max3A_299, %sub3A_297 : vector<8x128xf32>
        %mul3A_301 = arith.mulf %max3A_296, %max3A_300 : vector<8x128xf32>
        %mul3A_302 = arith.constant 1.700000e+00 : f32
        %mul3A_303 = vector.broadcast %mul3A_302 : f32 to vector<8x128xf32>
        %mul3A_304 = arith.mulf %mul3A_301, %mul3A_303 : vector<8x128xf32>
        %mul3A_305 = arith.constant 0.699999988 : f32
        %mul3A_306 = arith.mulf %mul3A_305, %mul3A_284 : f32
        %add3A_307 = vector.broadcast %mul3A_306 : f32 to vector<8x128xf32>
        %add3A_308 = arith.addf %add3A_307, %slice3A_202 : vector<8x128xf32>
        %gt3A_309 = arith.cmpf ogt, %mul3A_304, %add3A_308 : vector<8x128xf32>
        %gt3A_310 = vector.broadcast %scan3A_209 : i32 to vector<8x128xi32>
        %gt3A_311 = arith.cmpi sgt, %slice3A_203, %gt3A_310 : vector<8x128xi32>
        %and3A_312 = arith.andi %gt3A_309, %gt3A_311 : vector<8x128xi1>
        %get3A_313 = arith.constant 64 : index
        %get3A_314 = arith.constant 0 : index
        %get3A_315 = vector.load %arg12[%get3A_313, %get3A_314] : memref<72x128xf32, #tpu.memory_space<vmem>>, vector<8x128xf32>
        %convert_element_type3A_316 = arith.extui %and3A_312 : vector<8x128xi1> to vector<8x128xi32>
        %convert_element_type3A_317 = arith.sitofp %convert_element_type3A_316 : vector<8x128xi32> to vector<8x128xf32>
        %sub3A_318 = arith.constant 1.000000e+00 : f32
        %sub3A_319 = vector.broadcast %sub3A_318 : f32 to vector<8x128xf32>
        %sub3A_320 = arith.subf %sub3A_319, %convert_element_type3A_317 : vector<8x128xf32>
        %mul3A_321 = arith.mulf %get3A_315, %sub3A_320 : vector<8x128xf32>
        %swap3A_322 = arith.constant 64 : index
        %swap3A_323 = arith.constant 0 : index
        %swap3A_324 = vector.load %arg12[%swap3A_322, %swap3A_323] : memref<72x128xf32, #tpu.memory_space<vmem>>, vector<8x128xf32>
        tpu.vector_store %arg12[%swap3A_322, %swap3A_323], %mul3A_321 {strides = array<i32>} : memref<72x128xf32, #tpu.memory_space<vmem>>, vector<8x128xf32>,
      } else {
      }
    }
    %scan3A_208 = arith.constant 1024 : i32
    return
  }
}

</mosaic_0001>

<sc_bundles>
// kernel: gather_offload_async_start.1
scs
__scs_entry_jumppad:
0x0: {  	(pc) =	sbr.rel $0x88, $3  }
0x1: {  	(tag) =	ssettag $0x0;
	lr =	simm.s32 $0x1  }
0x2: {  	[smem:$0x3F9A] =	sst lr;
	_ =	strace $0xD0000000  }
0x3: {  	_ = 	snop  }
0x4: {  	_ = 	snop  }
0x5: {  	_ = 	snop  }
0x6: {  	_ = 	snop  }
0x7: {  	_ = 	snop  }
__scs_overlays_trampoline_lowered:
0x8: {  	[smem:$0x3FA9] =	sst s0  }
0x9: {  	[smem:$0x3FAA] =	sst s1  }
0xa: {  	[smem:$0x3FAB] =	sst s2  }
0xb: {  	[smem:$0x3FAC] =	sst s3  }
0xc: {  	[smem:$0x3FAD] =	sst s4  }
0xd: {  	[smem:$0x3FAE] =	sst s5  }
0xe: {  	[smem:$0x3FAF] =	sst s6  }
0xf: {  	[smem:$0x3FB0] =	sst s7  }
0x10: {  	[smem:$0x3FB1] =	sst s8  }
0x11: {  	[smem:$0x3FB2] =	sst s9;
	s0 =	simm.s32 @!p0 $0x0  }
0x12: {  	s1 =	sld [smem:$0x3F98];
	s0 =	simm.s32 @p0 $0x1  }
0x13: {  	[smem:$0x3FB3] =	sst s0;
	s0 =	simm.s32 @!p1 $0x0  }
0x14: {  	s2 =	sld [smem:$0x3F97];
	s0 =	simm.s32 @p1 $0x1  }
0x15: {  	[smem:$0x3FB4] =	sst s0;
	s0 =	simm.s32 @!p2 $0x0  }
0x16: {  	s3 =	sld [smem:$0x3FDB];
	s0 =	simm.s32 @p2 $0x1  }
0x17: {  	s4 =	simm.s32 $0x1BF5;
	[smem:$0x3FB6] =	sst s0  }
0x18: {  	s0 =	sld [smem:$0x3F99];
	_ =	swait.ge [sflag:s4], $0x0  }
0x19: {  	s7 =	sld [smem:$0x3F9A]  }
0x1a: {  	s8 =	sadd.s32 $0xFFFFE003, lr  }
0x1b: {  	s9 =	sadd.s32 $0xFFFFFEF7, lr;
	s5 =	simm.s32 $0xFFFFFFFF;
	p2 =	slt.u32 s8, $0xFFFFF086  }
0x1c: {  	p1 =	slt.u32 s9, $0xF7A;
	s5 =	simm.s32 @!p2 $0x0  }
0x1d: {  	s5 =	simm.s32 @p1 $0x1;
	p0 =	seq.s32 s7, s2  }
0x1e: {  	s7 =	smul.u32 @!p0 $0xF7A, s2;
	p2 =	seq.s32 @!p0 s5, $0x0  }
0x1f: {  	s9 =	smul.u32 $0xF7A, s1;
	s8 =	simm.s32 @!p0 $0x1BF5;
	p2 =	por !p2, p0  }
0x20: {  	[sflag:s8] =	ssyncset.s32 @!p0 $0xFFFFF086;
	s6 =	sadd.s32 @!p0 s3, s7;
	s7 =	simm.s32 @!p0 $0x108  }
0x21: {  	s3 =	sadd.s32 s3, s9;
	s6 =	sadd.s32 @!p0 $0x88, s6;
	s7 =	simm.s32 @p2 $0x1082  }
0x22: {  	[simem:s7], [sflag:s8] =	dma.local @!p0 [hbm:s6], $0xF7A  }
0x23: {  	s9 =	sor.u32 $0xD0000000, s2;
	s6 =	simm.s32 $0x108;
	_ =	swait.ge @!p0 [sflag:s8], $0x0  }
0x24: {  	s3 =	sadd.s32 $0x88, s3;
	s6 =	simm.s32 @!p1 $0x1082;
	[sflag:s4] =	ssyncset.s32 $0xFFFFF086  }
0x25: {  	[simem:s6], [sflag:s4] =	dma.local [hbm:s3], $0xF7A  }
0x26: {  	[smem:$0x3F9A] =	sst s1;
	(tag) =	ssettag s2;
	_ =	strace s9  }
0x27: {  	s1 =	sld [smem:$0x3FAA]  }
0x28: {  	s2 =	sld [smem:$0x3FAB]  }
0x29: {  	s4 =	sld [smem:$0x3FAD]  }
0x2a: {  	p0 =	seq.s32 s5, $0x0;
	s5 =	sld [smem:$0x3FAE]  }
0x2b: {  	s6 =	sld [smem:$0x3FAF]  }
0x2c: {  	s7 =	sld [smem:$0x3FB0]  }
0x2d: {  	s3 =	simm.s32 $0x108;
	s8 =	sld [smem:$0x3FB1]  }
0x2e: {  	s3 =	simm.s32 @!p0 $0x1082;
	s9 =	sld [smem:$0x3FB2]  }
0x2f: {  	lr =	sadd.s32 s0, s3;
	s0 =	sld [smem:$0x3FA9]  }
0x30: {  	s3 =	sld [smem:$0x3FAC]  }
0x31: {  	[smem:$0x3FB5] =	sst s10  }
0x32: {  	s10 =	sld [smem:$0x3FB3];
	_ =	sdelay $0x3  }
0x33: {  	p0 =	seq.s32 s10, $0x1;
	s10 =	sld [smem:$0x3FB5];
	_ =	sdelay $0x3  }
0x34: {  	[smem:$0x3FB5] =	sst s10  }
0x35: {  	s10 =	sld [smem:$0x3FB4];
	_ =	sdelay $0x3  }
0x36: {  	p1 =	seq.s32 s10, $0x1;
	s10 =	sld [smem:$0x3FB5];
	_ =	sdelay $0x3  }
0x37: {  	[smem:$0x3FB5] =	sst s10  }
0x38: {  	s10 =	sld [smem:$0x3FB6]  }
0x39: {  	_ = 	snop;
	(pc) =	sbr.ind lr, $3  }
0x3a: {  	_ = 	snop  }
0x3b: {  	_ = 	snop  }
0x3c: {  	p2 =	seq.s32 s10, $0x1;
	s10 =	sld [smem:$0x3FB5]  }
0x3d: {  	_ =	shalt  }
0x3e: {  	_ =	shalt  }
0x3f: {  	_ =	shalt  }
0x40: {  	_ =	shalt  }
0x41: {  	_ =	shalt  }
0x42: {  	_ =	shalt  }
0x43: {  	_ =	shalt  }
0x44: {  	_ =	shalt  }
0x45: {  	_ =	shalt  }
0x46: {  	_ =	shalt  }
0x47: {  	_ =	shalt  }
0x48: {  	_ =	shalt  }
0x49: {  	_ =	shalt  }
0x4a: {  	_ =	shalt  }
0x4b: {  	_ =	shalt  }
0x4c: {  	_ =	shalt  }
0x4d: {  	_ =	shalt  }
0x4e: {  	_ =	shalt  }
0x4f: {  	_ =	shalt  }
0x50: {  	_ =	shalt  }
0x51: {  	_ =	shalt  }
0x52: {  	_ =	shalt  }
0x53: {  	_ =	shalt  }
0x54: {  	_ =	shalt  }
0x55: {  	_ =	shalt  }
0x56: {  	_ =	shalt  }
0x57: {  	_ =	shalt  }
0x58: {  	_ =	shalt  }
0x59: {  	_ =	shalt  }
0x5a: {  	_ =	shalt  }
0x5b: {  	_ =	shalt  }
0x5c: {  	_ =	shalt  }
0x5d: {  	_ =	shalt  }
0x5e: {  	_ =	shalt  }
0x5f: {  	_ =	shalt  }
0x60: {  	_ =	shalt  }
0x61: {  	_ =	shalt  }
0x62: {  	_ =	shalt  }
0x63: {  	_ =	shalt  }
0x64: {  	_ =	shalt  }
0x65: {  	_ =	shalt  }
0x66: {  	_ =	shalt  }
0x67: {  	_ =	shalt  }
0x68: {  	_ =	shalt  }
0x69: {  	_ =	shalt  }
0x6a: {  	_ =	shalt  }
0x6b: {  	_ =	shalt  }
0x6c: {  	_ =	shalt  }
0x6d: {  	_ =	shalt  }
0x6e: {  	_ =	shalt  }
0x6f: {  	_ =	shalt  }
0x70: {  	_ =	shalt  }
0x71: {  	_ =	shalt  }
0x72: {  	_ =	shalt  }
0x73: {  	_ =	shalt  }
0x74: {  	_ =	shalt  }
0x75: {  	_ =	shalt  }
0x76: {  	_ =	shalt  }
0x77: {  	_ =	shalt  }
0x78: {  	_ =	shalt  }
0x79: {  	_ =	shalt  }
0x7a: {  	_ =	shalt  }
0x7b: {  	_ =	shalt  }
0x7c: {  	_ =	shalt  }
0x7d: {  	_ =	shalt  }
0x7e: {  	_ =	shalt  }
0x7f: {  	_ =	shalt  }
0x80: {  	_ =	shalt  }
0x81: {  	_ =	shalt  }
0x82: {  	_ =	shalt  }
0x83: {  	_ =	shalt  }
0x84: {  	_ =	shalt  }
0x85: {  	_ =	shalt  }
0x86: {  	_ =	shalt  }
0x87: {  	_ =	shalt  }
.Lfunc_end0:
.L_simem_size_0:
called_computation.1_lowered:
.L_overlay_start_0:
0x88: {  	s2 =	sld [smem:$0x3FD9]  }
0x89: {  	s3 =	sld [smem:$0x3FFE];
	_ =	sdelay $0x1  }
0x8a: {  	s1 =	srdreg.scid  }
0x8b: {  	s0 =	sand.u32 $0x1, s1  }
0x8c: {  	s17 =	sshll.u32 s0, $0xA;
	s2 =	sadd.s32 s3, s2  }
0x8d: {  	s2 =	sadd.s32 s2, s17  }
0x8e: {  	[smem:$0x3FC1] =	sst s2  }
0x8f: {  	_ = 	snop  }
0x90: {  	(tm) =	ssettm $0x1  }
0x91: {  	s18 =	sld [smem:$0x3FFB];
	_ =	sdelay $0x3  }
0x92: {  	_ =	strace s18  }
0x93: {  	s2 =	sld [smem:$0x3FFC];
	_ =	sdelay $0x3  }
0x94: {  	_ =	strace s2  }
0x95: {  	s2 =	sld [smem:$0x3FFD];
	_ =	sdelay $0x3  }
0x96: {  	_ =	strace s2  }
0x97: {  	_ =	strace $0x8FFFFFFF  }
0x98: {  	s19 =	sld [smem:$0x3FDB];
	_ =	sdelay $0x1  }
0x99: {  	s20 =	simm.s32 $_scs_section_size  }
0x9a: {  	s4 =	simm.s32 $_size__tile_overlayer_lowered;
	s5 =	simm.s32 $_tile_overlayer_lowered  }
0x9b: {  	s6 =	simm.s32 $0x1BFF;
	s21 =	sshll.u32 s5, $0x1;
	s3 =	sadd.s32 s20, s19  }
0x9c: {  	s22 =	simm.s32 $0x0;
	s4 =	sshll.u32 s4, $0x1;
	s5 =	sadd.s32 s21, s3  }
0x9d: {  	[timem:s22], [sflag:s6] =	dma.local [hbm:s5], s4  }
0x9e: {  	_ =	swait.ge [sflag:s6], s4  }
0x9f: {  	s4 =	ssub.s32 $0x0, s4;
	[sflag:s6] =	ssyncset.done $0x0  }
0xa0: {  	[sflag:s6] =	ssyncadd.s32 s4;
	_ =	sdelay $0x1  }
0xa1: {  	s23 =	simm.s32 $0x1B8B  }
0xa2: {  	_ =	swait.ge [sflag:s23], $0x1  }
0xa3: {  	[sflag:s23] =	ssyncset.done $0x0  }
0xa4: {  	[sflag:s23] =	ssyncadd.s32 $0xFFFFFFFF  }
0xa5: {  	s4 =	sld [smem:$0x0]  }
0xa6: {  	s5 =	sand.u32 $0xFFFFFFFE, s1  }
0xa7: {  	p0 =	sne.s32 s1, s5  }
0xa8: {  	s5 =	sshll.u32 @p0 s5, $0xE  }
0xa9: {  	s5 =	sadd.s32 @p0 $0x11B8D, s5;
	s6 =	sshll.u32 @p0 s4, $0x11  }
0xaa: {  	s5 =	sor.u32 @p0 s6, s5  }
0xab: {  	[sflag:s5] =	ssyncadd.remote.s32 @p0 $0x1;
	_ =	sdelay $0x1  }
0xac: {  	s5 =	simm.s32 @p0 $0x1B8D  }
0xad: {  	_ =	swait.eq @p0 [sflag:s5], $0x1  }
0xae: {  	[sflag:s5] =	ssyncadd.s32 @p0 $0xFFFFFFFF  }
0xaf: {  	s6 =	sshll.u32 @!p0 s1, $0xE  }
0xb0: {  	s6 =	sor.u32 @!p0 $0x4000, s6;
	s5 =	simm.s32 @!p0 $0x1B8D  }
0xb1: {  	s4 =	sshll.u32 @!p0 s4, $0x11;
	s6 =	sadd.s32 @!p0 $0x11B8D, s6;
	_ =	swait.eq @!p0 [sflag:s5], $0x1  }
0xb2: {  	s4 =	sor.u32 @!p0 s4, s6;
	[sflag:s5] =	ssyncadd.s32 @!p0 $0xFFFFFFFF  }
0xb3: {  	s25 =	simm.s32 $0x1B8E;
	s24 =	sld [smem:$0x3FFE];
	[sflag:s4] =	ssyncadd.remote.s32 @!p0 $0x1  }
0xb4: {  	s26 =	simm.s32 $execute0_lowered;
	[smem:$0x3FD2] =	sst s25  }
0xb5: {  	s5 =	sshll.u32 s26, $0x1;
	_ =	strace $0x80000049;
	[dreg:$0x1] =	wrdreg $0xFFFFFFFF  }
0xb6: {  	s28 =	simm.s32 $_size_execute0_lowered;
	s3 =	sadd.s32 s3, s5;
	[dreg:$0x0] =	wrdreg $0x0  }
0xb7: {  	s5 =	sshll.u32 s28, $0x1;
	[dreg:$0x2] =	wrdreg s3  }
0xb8: {  	[dreg:$0x3] =	wrdreg s5  }
0xb9: {  	[dreg:$0x4] =	wrdreg $0xC0  }
0xba: {  	_ =	task [dreg:s22], $0x5FFFF  }
0xbb: {  	[dreg:$0x1] =	wrdreg $0xFFFFFFFF  }
0xbc: {  	[dreg:$0x0] =	wrdreg $0x60  }
0xbd: {  	[dreg:$0x2] =	wrdreg s24  }
0xbe: {  	[dreg:$0x3] =	wrdreg $0xA  }
0xbf: {  	_ =	task.clear_ibuf [dreg:s22], $0x4FFFF;
	_ =	strace $0x90000049  }
0xc0: {  	s29 =	simm.s32 $0xA;
	_ =	strace $0x8000004B  }
0xc1: {  	_ =	swait.ge [sflag:s29], $0x1  }
0xc2: {  	[sflag:s29] =	ssyncadd.s32 $0xFFFFFFFF  }
0xc3: {  	_ =	strace $0x9000004B  }
0xc4: {  	_ =	sfence  }
0xc5: {  	s30 =	sld [smem:$0x0];
	_ =	sdelay $0x2  }
0xc6: {  	s31 =	sshll.u32 s1, $0xD;
	s1 =	sshrl.u32 s1, $0x2  }
0xc7: {  	s4 =	sand.u32 $0x4000, s31;
	s1 =	sadd.s32 s1, s30  }
0xc8: {  	s0 =	sor.u32 s4, s0;
	s1 =	sshll.u32 s1, $0x11  }
0xc9: {  	s0 =	sor.u32 s1, s0  }
0xca: {  	s0 =	sadd.s32 $0x8F2B, s0  }
0xcb: {  	[sflag:s0] =	ssyncadd.remote.s32 $0x1  }
0xcc: {  	_ =	sfence.sel $0xFFFF  }
0xcd: {  	[dreg:$0x0] =	wrdreg $0xFFFFFFFF;
	(pc) =	sbr.abs _section_cstart, $3  }
0xce: {  	[dreg:$0x1] =	wrdreg $0xFFFFFFFF  }
0xcf: {  	_ =	task.clear_ibuf [dreg:s22], $0x2FFFF;
	_ =	strace $0x9FFFFFFF  }
0xd0: {  	(tm) =	ssettm $0x7FFFFFFF  }
0xd1: {  	_ =	shalt  }
tec
execute0_lowered:
.L_overlay_start_1:
0x0: {  	(tag) =	ssettag $0x1  }
0x1: {  	s0 =	srdreg.scid  }
0x2: {  	s1 =	sshll.u32 s0, $0x4  }
0x3: {  	s0 =	stileid.u32;
	s1 =	sand.u32 $0x10, s1  }
0x4: {  	s1 =	sor.u32 s0, s1  }
0x5: {  	s9 =	rddreg [dreg:$0x0];
	s6 =	simm.s32 $0x1;
	s2 =	smin.u32 s1, $0x4  }
0x6: {  	p0 =	slt.u32 s1, $0x4;
	s2 =	sadd.s32 s1, s2;
	s1 =	simm.s32 $0x200  }
0x7: {  	s7 =	simm.s32 $0x2;
	s2 =	sshll.u32 s2, $0x8;
	s1 =	simm.s32 @!p0 $0x100  }
0x8: {  	s10 =	simm.s32 $0x3;
	s13 =	simm.s32 $0x0;
	s3 =	sadd.s32 s1, s2  }
0x9: {  	s12 =	simm.s32 $0x0;
	s4 =	sadd.s32 $0x48600, s9;
	s3 =	smin.u32 s3, $0x2400  }
.Ltmp0:
0xa: {  	s5 =	sadd.s32 $0x24000, s9;
	s8 =	ssub.s32 s3, s2;
	(pc) =	sbr.rel .LBB2_1-.Ltmp0, $4  }
0xb: {  	s1 =	rddreg [dreg:$0x1];
	_ =	strace $0x8000004A;
	p0 =	sgt.s32 s8, $0x0  }
0xc: {  	s9 =	sadd.s32 $0x6C600, s9;
	[sflag:s6] =	ssyncpa.u1 $0x0;
	s8 =	simm.s32 @!p0 $0x0  }
0xd: {  	s11 =	smov.u32 s2;
	[sflag:s7] =	ssyncpa.u1 $0x0;
	s8 =	sshrl.u32 s8, $0x8  }
0xe: {  	vm0 =	vmmov $0xff;
	vm1 =	vcmask $0x3F20;
	[sflag:s10] =	ssyncpa.u1 $0x0;
	p0 =	por $0x0, $0x0;
	s10 =	sadd.s32 $0x1, s8  }
.LBB2_6:
0xf: {  	[hbm:s17] =	stream.linear.scatter [tilespmem:s14], [sflag:$0x3], $0x400, $0x38;
	[tilespmem:$0x10200] =	vst v63  }
.LBB2_7:
0x10: {  	s13 =	sadd.s32 $0x100, s11  }
0x11: {  	s15 =	smov.u32 s2;
	p2 =	slt.s32 s13, s3  }
0x12: {  	s15 =	smov.u32 @p2 s13;
	p2 =	sne.s32 s12, s10  }
.Ltmp1:
0x13: {  	p1 =	slt.u32 s12, $0x2;
	(pc) =	sbr.rel @!p2 .LBB2_8-.Ltmp1, $4  }
0x14: {  	s14 =	simm.s32 @!p1 $0x3  }
0x15: {  	s16 =	sadd.s32 $0x1, s12;
	_ =	swait.ge @!p1 [sflag:s14], $0x8000  }
0x16: {  	p0 =	por !p0, !p0;
	s13 =	smov.u32 s11;
	[sflag:s14] =	ssyncset.done @!p1 $0x0  }
0x17: {  	s12 =	smov.u32 s16;
	s11 =	smov.u32 s15;
	[sflag:s14] =	ssyncadd.s32 @!p1 $0xFFFF8000  }
.LBB2_1:
0x18: {  	p1 =	sge.u32 s12, s8  }
0x19: {  	s14 =	sxor.u32 @!p1 $0xFFFFFFFF, s12  }
0x1a: {  	s31 =	sadd.s32 $0xFFFFFFFF, s12;
	s15 =	sshrl.u32 @!p1 s11, $0x3;
	s14 =	sshll.u32 @!p1 s14, $0x8  }
0x1b: {  	s16 =	sand.u32 @!p1 $0x7, s11;
	s15 =	sadd.s32 @!p1 s5, s15;
	s14 =	sand.u32 @!p1 $0x100, s14  }
0x1c: {  	[tilespmem:s14], [sflag:$0x2] =	stream.linear.gather @!p1 [hbm4b:s15+s16], $0x100, $0x38;
	[tilespmem:$0x10200] =	vst v63  }
0x1d: {  	p1 =	sge.u32 s31, s8  }
.Ltmp2:
0x1e: {  	_ = 	snop;
	(pc) =	sbr.rel @p1 .LBB2_7-.Ltmp2, $1  }
0x1f: {  	_ =	sdelay $0x3  }
0x20: {  	s14 =	simm.s32 $0x1  }
0x21: {  	_ =	swait.ge [sflag:s7], $0x100;
	s14 =	simm.s32 @!p0 $0x0  }
0x22: {  	[sflag:s7] =	ssyncset.done $0x0;
	s16 =	sshll.u32 s14, $0x8  }
0x23: {  	[sflag:s7] =	ssyncadd.s32 $0xFFFFFF00;
	s15 =	sadd.s32 $0x0, s16  }
0x24: {  	v0 =	vld.msk [tilespmem:s15+$0x0 ss:$0x1], $0xffff;
	_ =	sdelay $0x4  }
0x25: {  	vm2 =	vgt.s32 v0, $0x0  }
0x26: {  	v0 =	vnsel vm2, $0x0, v0  }
0x27: {  	v0 =	vmin.u32 v0, $0x23FF  }
0x28: {  	v0 =	vshll.u32 v0, $0x4;
	_ =	sdelay $0x2  }
0x29: {  	s14 =	sshll.u32 s14, $0xF  }
0x2a: {  	s14 =	sor.u32 $0x200, s14  }
0x2b: {  	[tilespmem:s14], [sflag:$0x1] =	stream.indirect_vreg.gather [hbm:s4], $0x80, v0, vm0, $0x38;
	[tilespmem:$0x10200] =	vst v63  }
0x2c: {  	s17 =	sadd.s32 $0x10, s16;
	s15 =	sadd.s32 $0x400, s14  }
0x2d: {  	[tilespmem:s15], [sflag:$0x1] =	stream.indirect_vreg.gather [hbm:s4], $0x80, v0, vm1, $0x38;
	[tilespmem:$0x10200] =	vst v63  }
0x2e: {  	s18 =	simm.s32 $0x80;
	v0 =	vld.msk [tilespmem:s17+$0x0 ss:$0x1], $0xffff;
	s17 =	smov.u32 s14  }
.LBB2_3:
0x2f: {  	p1 =	sne.s32 s18, $0x3C0;
	_ =	sdelay $0x4  }
0x30: {  	vm2 =	vgt.s32 v0, $0x0  }
0x31: {  	v0 =	vnsel vm2, $0x0, v0  }
0x32: {  	v0 =	vmin.u32 v0, $0x23FF  }
0x33: {  	v0 =	vshll.u32 v0, $0x4;
	_ =	sdelay $0x3  }
.Ltmp3:
0x34: {  	s19 =	sshra.s32 s18, $0x2;
	s17 =	sadd.s32 $0x800, s17;
	(pc) =	sbr.rel @p1 .LBB2_3-.Ltmp3, $4  }
0x35: {  	[tilespmem:s17], [sflag:$0x1] =	stream.indirect_vreg.gather [hbm:s4], $0x80, v0, vm0, $0x38;
	[tilespmem:$0x10200] =	vst v63  }
0x36: {  	s19 =	sadd.s32 s19, s16;
	s20 =	sadd.s32 $0x400, s17  }
0x37: {  	[tilespmem:s20], [sflag:$0x1] =	stream.indirect_vreg.gather [hbm:s4], $0x80, v0, vm1, $0x38;
	[tilespmem:$0x10200] =	vst v63  }
0x38: {  	s18 =	sadd.s32 $0x40, s18;
	v0 =	vld.msk [tilespmem:s19+$0x0 ss:$0x1], $0xffff  }
0x39: {  	_ =	sdelay $0x3  }
0x3a: {  	vm2 =	vgt.s32 v0, $0x0  }
0x3b: {  	v0 =	vnsel vm2, $0x0, v0  }
0x3c: {  	v0 =	vmin.u32 v0, $0x23FF  }
0x3d: {  	v0 =	vshll.u32 v0, $0x4;
	_ =	sdelay $0x3  }
0x3e: {  	s16 =	sadd.s32 $0x800, s17  }
0x3f: {  	[tilespmem:s16], [sflag:$0x1] =	stream.indirect_vreg.gather [hbm:s4], $0x80, v0, vm0, $0x38;
	[tilespmem:$0x10200] =	vst v63  }
0x40: {  	s16 =	sadd.s32 $0x400, s16  }
0x41: {  	[tilespmem:s16], [sflag:$0x1] =	stream.indirect_vreg.gather [hbm:s4], $0x80, v0, vm1, $0x38;
	[tilespmem:$0x10200] =	vst v63  }
0x42: {  	s13 =	sshll.u32 s13, $0x4;
	_ =	swait.ge [sflag:s6], $0x8000  }
0x43: {  	s13 =	sadd.s32 s13, s9;
	[sflag:s6] =	ssyncset.done $0x0  }
0x44: {  	s17 =	sadd.s32 $0x0, s13;
	s16 =	simm.s32 $0x80;
	[sflag:s6] =	ssyncadd.s32 $0xFFFF8000  }
.LBB2_5:
0x45: {  	[hbm:s17] =	stream.linear.scatter [tilespmem:s14], [sflag:$0x3], $0x400, $0x38;
	[tilespmem:$0x10200] =	vst v63  }
0x46: {  	s17 =	smov.u32 s16;
	s14 =	smov.u32 s15;
	p1 =	sne.s32 s16, $0xF80  }
.Ltmp4:
0x47: {  	s16 =	sadd.s32 $0x80, s16;
	(pc) =	sbr.rel @p1 .LBB2_5-.Ltmp4, $2  }
0x48: {  	_ =	sdelay $0x2  }
0x49: {  	s15 =	sadd.s32 $0x400, s15;
	s17 =	sadd.s32 s17, s13  }
.Ltmp5:
0x4a: {  	_ = 	snop;
	(pc) =	sbr.rel .LBB2_6-.Ltmp5, $1  }
0x4b: {  	_ =	sdelay $0x3  }
.LBB2_8:
0x4c: {  	_ =	sfence.sel $0x180000  }
0x4d: {  	s2 =	simm.s32 $0x2;
	[bflag:$0x0] =	sbarrier.arrive $0xFFFF  }
0x4e: {  	s30 =	simm.s32 $0x3;
	[sflag:s2] =	ssyncpa.u1 $0x1  }
0x4f: {  	s31 =	simm.s32 $0x1;
	[sflag:s30] =	ssyncpa.u1 $0x1  }
0x50: {  	[sflag:s31] =	ssyncpa.u1 $0x1  }
0x51: {  	p0 =	sne.s32 s0, $0x0;
	_ =	strace $0x9000004A  }
0x52: {  	s0 =	sadd.s32 @!p0 $0x100000, s1;
	[bflag:$0x2] =	sbarrier.arrive $0xFFFF  }
0x53: {  	[sflag:s0] =	ssyncadd.tile.s32 @!p0 $0x1;
	_ =	shalt  }
.Lfunc_end2:
_tile_overlayer_lowered:
.L_overlay_start_2:
0x54: {  	(tag) =	ssettag $0x2  }
0x55: {  	s0 =	rddreg [dreg:$0x0];
	s2 =	stileid.u32  }
0x56: {  	s1 =	rddreg [dreg:$0x1];
	p0 =	sne.s32 s2, $0x0  }
0x57: {  	s3 =	rddreg [dreg:$0x2];
	[bflag:$0x3] =	sbarrier.arrive $0xFFFF;
	s2 =	simm.s32 @!p0 $0x1C01  }
0x58: {  	[timem:s3], [sflag:s2] =	dma.local @!p0 [hbm:s0], s1  }
0x59: {  	s0 =	simm.s32 @!p0 $0x1  }
0x5a: {  	_ =	swait.ge @!p0 [sflag:s0], s1  }
0x5b: {  	s1 =	ssub.s32 @!p0 $0x0, s1;
	[sflag:s0] =	ssyncset.done @!p0 $0x0  }
0x5c: {  	[sflag:s0] =	ssyncadd.s32 @!p0 s1  }
0x5d: {  	[bflag:$0x3] =	sbarrier.arrive $0xFFFF  }
0x5e: {  	_ =	shalt  }

// kernel: gather_offload_async_start
scs
__scs_entry_jumppad:
0x0: {  	(pc) =	sbr.rel $0x88, $3  }
0x1: {  	(tag) =	ssettag $0x0;
	lr =	simm.s32 $0x1  }
0x2: {  	[smem:$0x3F9A] =	sst lr;
	_ =	strace $0xD0000000  }
0x3: {  	_ = 	snop  }
0x4: {  	_ = 	snop  }
0x5: {  	_ = 	snop  }
0x6: {  	_ = 	snop  }
0x7: {  	_ = 	snop  }
__scs_overlays_trampoline_lowered:
0x8: {  	[smem:$0x3FA9] =	sst s0  }
0x9: {  	[smem:$0x3FAA] =	sst s1  }
0xa: {  	[smem:$0x3FAB] =	sst s2  }
0xb: {  	[smem:$0x3FAC] =	sst s3  }
0xc: {  	[smem:$0x3FAD] =	sst s4  }
0xd: {  	[smem:$0x3FAE] =	sst s5  }
0xe: {  	[smem:$0x3FAF] =	sst s6  }
0xf: {  	[smem:$0x3FB0] =	sst s7  }
0x10: {  	[smem:$0x3FB1] =	sst s8  }
0x11: {  	[smem:$0x3FB2] =	sst s9;
	s0 =	simm.s32 @!p0 $0x0  }
0x12: {  	s1 =	sld [smem:$0x3F98];
	s0 =	simm.s32 @p0 $0x1  }
0x13: {  	[smem:$0x3FB3] =	sst s0;
	s0 =	simm.s32 @!p1 $0x0  }
0x14: {  	s2 =	sld [smem:$0x3F97];
	s0 =	simm.s32 @p1 $0x1  }
0x15: {  	[smem:$0x3FB4] =	sst s0;
	s0 =	simm.s32 @!p2 $0x0  }
0x16: {  	s3 =	sld [smem:$0x3FDB];
	s0 =	simm.s32 @p2 $0x1  }
0x17: {  	s4 =	simm.s32 $0x1BF5;
	[smem:$0x3FB6] =	sst s0  }
0x18: {  	s0 =	sld [smem:$0x3F99];
	_ =	swait.ge [sflag:s4], $0x0  }
0x19: {  	s7 =	sld [smem:$0x3F9A]  }
0x1a: {  	s8 =	sadd.s32 $0xFFFFE003, lr  }
0x1b: {  	s9 =	sadd.s32 $0xFFFFFEF7, lr;
	s5 =	simm.s32 $0xFFFFFFFF;
	p2 =	slt.u32 s8, $0xFFFFF086  }
0x1c: {  	p1 =	slt.u32 s9, $0xF7A;
	s5 =	simm.s32 @!p2 $0x0  }
0x1d: {  	s5 =	simm.s32 @p1 $0x1;
	p0 =	seq.s32 s7, s2  }
0x1e: {  	s7 =	smul.u32 @!p0 $0xF7A, s2;
	p2 =	seq.s32 @!p0 s5, $0x0  }
0x1f: {  	s9 =	smul.u32 $0xF7A, s1;
	s8 =	simm.s32 @!p0 $0x1BF5;
	p2 =	por !p2, p0  }
0x20: {  	[sflag:s8] =	ssyncset.s32 @!p0 $0xFFFFF086;
	s6 =	sadd.s32 @!p0 s3, s7;
	s7 =	simm.s32 @!p0 $0x108  }
0x21: {  	s3 =	sadd.s32 s3, s9;
	s6 =	sadd.s32 @!p0 $0x88, s6;
	s7 =	simm.s32 @p2 $0x1082  }
0x22: {  	[simem:s7], [sflag:s8] =	dma.local @!p0 [hbm:s6], $0xF7A  }
0x23: {  	s9 =	sor.u32 $0xD0000000, s2;
	s6 =	simm.s32 $0x108;
	_ =	swait.ge @!p0 [sflag:s8], $0x0  }
0x24: {  	s3 =	sadd.s32 $0x88, s3;
	s6 =	simm.s32 @!p1 $0x1082;
	[sflag:s4] =	ssyncset.s32 $0xFFFFF086  }
0x25: {  	[simem:s6], [sflag:s4] =	dma.local [hbm:s3], $0xF7A  }
0x26: {  	[smem:$0x3F9A] =	sst s1;
	(tag) =	ssettag s2;
	_ =	strace s9  }
0x27: {  	s1 =	sld [smem:$0x3FAA]  }
0x28: {  	s2 =	sld [smem:$0x3FAB]  }
0x29: {  	s4 =	sld [smem:$0x3FAD]  }
0x2a: {  	p0 =	seq.s32 s5, $0x0;
	s5 =	sld [smem:$0x3FAE]  }
0x2b: {  	s6 =	sld [smem:$0x3FAF]  }
0x2c: {  	s7 =	sld [smem:$0x3FB0]  }
0x2d: {  	s3 =	simm.s32 $0x108;
	s8 =	sld [smem:$0x3FB1]  }
0x2e: {  	s3 =	simm.s32 @!p0 $0x1082;
	s9 =	sld [smem:$0x3FB2]  }
0x2f: {  	lr =	sadd.s32 s0, s3;
	s0 =	sld [smem:$0x3FA9]  }
0x30: {  	s3 =	sld [smem:$0x3FAC]  }
0x31: {  	[smem:$0x3FB5] =	sst s10  }
0x32: {  	s10 =	sld [smem:$0x3FB3];
	_ =	sdelay $0x3  }
0x33: {  	p0 =	seq.s32 s10, $0x1;
	s10 =	sld [smem:$0x3FB5];
	_ =	sdelay $0x3  }
0x34: {  	[smem:$0x3FB5] =	sst s10  }
0x35: {  	s10 =	sld [smem:$0x3FB4];
	_ =	sdelay $0x3  }
0x36: {  	p1 =	seq.s32 s10, $0x1;
	s10 =	sld [smem:$0x3FB5];
	_ =	sdelay $0x3  }
0x37: {  	[smem:$0x3FB5] =	sst s10  }
0x38: {  	s10 =	sld [smem:$0x3FB6]  }
0x39: {  	_ = 	snop;
	(pc) =	sbr.ind lr, $3  }
0x3a: {  	_ = 	snop  }
0x3b: {  	_ = 	snop  }
0x3c: {  	p2 =	seq.s32 s10, $0x1;
	s10 =	sld [smem:$0x3FB5]  }
0x3d: {  	_ =	shalt  }
0x3e: {  	_ =	shalt  }
0x3f: {  	_ =	shalt  }
0x40: {  	_ =	shalt  }
0x41: {  	_ =	shalt  }
0x42: {  	_ =	shalt  }
0x43: {  	_ =	shalt  }
0x44: {  	_ =	shalt  }
0x45: {  	_ =	shalt  }
0x46: {  	_ =	shalt  }
0x47: {  	_ =	shalt  }
0x48: {  	_ =	shalt  }
0x49: {  	_ =	shalt  }
0x4a: {  	_ =	shalt  }
0x4b: {  	_ =	shalt  }
0x4c: {  	_ =	shalt  }
0x4d: {  	_ =	shalt  }
0x4e: {  	_ =	shalt  }
0x4f: {  	_ =	shalt  }
0x50: {  	_ =	shalt  }
0x51: {  	_ =	shalt  }
0x52: {  	_ =	shalt  }
0x53: {  	_ =	shalt  }
0x54: {  	_ =	shalt  }
0x55: {  	_ =	shalt  }
0x56: {  	_ =	shalt  }
0x57: {  	_ =	shalt  }
0x58: {  	_ =	shalt  }
0x59: {  	_ =	shalt  }
0x5a: {  	_ =	shalt  }
0x5b: {  	_ =	shalt  }
0x5c: {  	_ =	shalt  }
0x5d: {  	_ =	shalt  }
0x5e: {  	_ =	shalt  }
0x5f: {  	_ =	shalt  }
0x60: {  	_ =	shalt  }
0x61: {  	_ =	shalt  }
0x62: {  	_ =	shalt  }
0x63: {  	_ =	shalt  }
0x64: {  	_ =	shalt  }
0x65: {  	_ =	shalt  }
0x66: {  	_ =	shalt  }
0x67: {  	_ =	shalt  }
0x68: {  	_ =	shalt  }
0x69: {  	_ =	shalt  }
0x6a: {  	_ =	shalt  }
0x6b: {  	_ =	shalt  }
0x6c: {  	_ =	shalt  }
0x6d: {  	_ =	shalt  }
0x6e: {  	_ =	shalt  }
0x6f: {  	_ =	shalt  }
0x70: {  	_ =	shalt  }
0x71: {  	_ =	shalt  }
0x72: {  	_ =	shalt  }
0x73: {  	_ =	shalt  }
0x74: {  	_ =	shalt  }
0x75: {  	_ =	shalt  }
0x76: {  	_ =	shalt  }
0x77: {  	_ =	shalt  }
0x78: {  	_ =	shalt  }
0x79: {  	_ =	shalt  }
0x7a: {  	_ =	shalt  }
0x7b: {  	_ =	shalt  }
0x7c: {  	_ =	shalt  }
0x7d: {  	_ =	shalt  }
0x7e: {  	_ =	shalt  }
0x7f: {  	_ =	shalt  }
0x80: {  	_ =	shalt  }
0x81: {  	_ =	shalt  }
0x82: {  	_ =	shalt  }
0x83: {  	_ =	shalt  }
0x84: {  	_ =	shalt  }
0x85: {  	_ =	shalt  }
0x86: {  	_ =	shalt  }
0x87: {  	_ =	shalt  }
.Lfunc_end0:
.L_simem_size_0:
called_computation_lowered:
.L_overlay_start_0:
0x88: {  	s2 =	sld [smem:$0x3FD9]  }
0x89: {  	s3 =	sld [smem:$0x3FFE];
	_ =	sdelay $0x1  }
0x8a: {  	s1 =	srdreg.scid  }
0x8b: {  	s0 =	sand.u32 $0x1, s1  }
0x8c: {  	s16 =	sshll.u32 s0, $0xA;
	s2 =	sadd.s32 s3, s2  }
0x8d: {  	s2 =	sadd.s32 s2, s16  }
0x8e: {  	[smem:$0x3FC1] =	sst s2  }
0x8f: {  	_ = 	snop  }
0x90: {  	(tm) =	ssettm $0x1  }
0x91: {  	s17 =	sld [smem:$0x3FFB];
	_ =	sdelay $0x3  }
0x92: {  	_ =	strace s17  }
0x93: {  	s2 =	sld [smem:$0x3FFC];
	_ =	sdelay $0x3  }
0x94: {  	_ =	strace s2  }
0x95: {  	s2 =	sld [smem:$0x3FFD];
	_ =	sdelay $0x3  }
0x96: {  	_ =	strace s2  }
0x97: {  	_ =	strace $0x8FFFFFFF  }
0x98: {  	s18 =	sld [smem:$0x3FDB];
	_ =	sdelay $0x1  }
0x99: {  	s19 =	simm.s32 $_scs_section_size  }
0x9a: {  	s4 =	simm.s32 $_size__tile_overlayer_lowered;
	s5 =	simm.s32 $_tile_overlayer_lowered  }
0x9b: {  	s22 =	simm.s32 $0x1BFF;
	s21 =	sshll.u32 s5, $0x1;
	s2 =	sadd.s32 s19, s18  }
0x9c: {  	s6 =	simm.s32 $0x0;
	s20 =	sshll.u32 s4, $0x1;
	s4 =	sadd.s32 s21, s2  }
0x9d: {  	[timem:s6], [sflag:s22] =	dma.local [hbm:s4], s20  }
0x9e: {  	_ =	swait.ge [sflag:s22], s20  }
0x9f: {  	s3 =	ssub.s32 $0x0, s20;
	[sflag:s22] =	ssyncset.done $0x0  }
0xa0: {  	[sflag:s22] =	ssyncadd.s32 s3;
	_ =	sdelay $0x1  }
0xa1: {  	s23 =	simm.s32 $0x1B8B  }
0xa2: {  	_ =	swait.ge [sflag:s23], $0x1  }
0xa3: {  	[sflag:s23] =	ssyncset.done $0x0  }
0xa4: {  	s25 =	simm.s32 $0x1B8E;
	s24 =	sld [smem:$0x3FFE];
	[sflag:s23] =	ssyncadd.s32 $0xFFFFFFFF  }
0xa5: {  	s26 =	simm.s32 $execute0_lowered;
	[smem:$0x3FD2] =	sst s25  }
0xa6: {  	s4 =	sshll.u32 s26, $0x1;
	_ =	strace $0x80000046;
	[dreg:$0x1] =	wrdreg $0xFFFFFFFF  }
0xa7: {  	s28 =	simm.s32 $_size_execute0_lowered;
	s2 =	sadd.s32 s2, s4;
	[dreg:$0x0] =	wrdreg $0x0  }
0xa8: {  	s4 =	sshll.u32 s28, $0x1;
	[dreg:$0x2] =	wrdreg s2  }
0xa9: {  	[dreg:$0x3] =	wrdreg s4  }
0xaa: {  	[dreg:$0x4] =	wrdreg $0xC0  }
0xab: {  	_ =	task [dreg:s6], $0x5FFFF  }
0xac: {  	[dreg:$0x1] =	wrdreg $0xFFFFFFFF  }
0xad: {  	[dreg:$0x0] =	wrdreg $0x60  }
0xae: {  	[dreg:$0x2] =	wrdreg s24  }
0xaf: {  	[dreg:$0x3] =	wrdreg $0x9  }
0xb0: {  	_ =	task.clear_ibuf [dreg:s6], $0x4FFFF;
	_ =	strace $0x90000046  }
0xb1: {  	s29 =	simm.s32 $0x9;
	_ =	strace $0x80000048  }
0xb2: {  	_ =	swait.ge [sflag:s29], $0x1  }
0xb3: {  	[sflag:s29] =	ssyncadd.s32 $0xFFFFFFFF  }
0xb4: {  	_ =	strace $0x90000048  }
0xb5: {  	_ =	sfence  }
0xb6: {  	s30 =	sld [smem:$0x0];
	_ =	sdelay $0x2  }
0xb7: {  	s31 =	sshll.u32 s1, $0xD;
	s1 =	sshrl.u32 s1, $0x2  }
0xb8: {  	s3 =	sand.u32 $0x4000, s31;
	s1 =	sadd.s32 s1, s30  }
0xb9: {  	s0 =	sor.u32 s3, s0;
	s1 =	sshll.u32 s1, $0x11  }
0xba: {  	s0 =	sor.u32 s1, s0  }
0xbb: {  	s0 =	sadd.s32 $0x8F2B, s0  }
0xbc: {  	[sflag:s0] =	ssyncadd.remote.s32 $0x1  }
0xbd: {  	_ =	sfence.sel $0xFFFF  }
0xbe: {  	[dreg:$0x0] =	wrdreg $0xFFFFFFFF;
	(pc) =	sbr.abs _section_cstart, $3  }
0xbf: {  	[dreg:$0x1] =	wrdreg $0xFFFFFFFF  }
0xc0: {  	_ =	task.clear_ibuf [dreg:s6], $0x2FFFF;
	_ =	strace $0x9FFFFFFF  }
0xc1: {  	(tm) =	ssettm $0x7FFFFFFF  }
tec
execute0_lowered:
.L_overlay_start_1:
0x0: {  	(tag) =	ssettag $0x1  }
0x1: {  	s0 =	srdreg.scid  }
0x2: {  	s1 =	sshll.u32 s0, $0x4  }
0x3: {  	s0 =	stileid.u32;
	s1 =	sand.u32 $0x10, s1  }
0x4: {  	s1 =	sor.u32 s0, s1  }
0x5: {  	s3 =	rddreg [dreg:$0x0];
	s2 =	smin.u32 s1, $0x4  }
0x6: {  	p0 =	slt.u32 s1, $0x4;
	s2 =	sadd.s32 s1, s2;
	s1 =	simm.s32 $0x200  }
0x7: {  	s6 =	simm.s32 $0x1;
	s2 =	sshll.u32 s2, $0x8;
	s1 =	simm.s32 @!p0 $0x100  }
0x8: {  	s7 =	simm.s32 $0x2;
	s10 =	simm.s32 $0x3;
	s4 =	sadd.s32 s1, s2  }
0x9: {  	s13 =	simm.s32 $0x0;
	s12 =	simm.s32 $0x0;
	s4 =	smin.u32 s4, $0x2400  }
.Ltmp0:
0xa: {  	s5 =	sadd.s32 $0x24000, s3;
	s8 =	ssub.s32 s4, s2;
	(pc) =	sbr.rel .LBB2_1-.Ltmp0, $4  }
0xb: {  	s1 =	rddreg [dreg:$0x1];
	_ =	strace $0x80000047;
	p0 =	sgt.s32 s8, $0x0  }
0xc: {  	s9 =	sadd.s32 $0x24600, s3;
	[sflag:s6] =	ssyncpa.u1 $0x0;
	s8 =	simm.s32 @!p0 $0x0  }
0xd: {  	s11 =	smov.u32 s2;
	[sflag:s7] =	ssyncpa.u1 $0x0;
	s8 =	sshrl.u32 s8, $0x8  }
0xe: {  	vm0 =	vmmov $0xff;
	vm1 =	vcmask $0x3F20;
	[sflag:s10] =	ssyncpa.u1 $0x0;
	p0 =	por $0x0, $0x0;
	s10 =	sadd.s32 $0x1, s8  }
.LBB2_6:
0xf: {  	[hbm:s17] =	stream.linear.scatter [tilespmem:s14], [sflag:$0x3], $0x400, $0x38;
	[tilespmem:$0x10200] =	vst v63  }
.LBB2_7:
0x10: {  	s13 =	sadd.s32 $0x100, s11  }
0x11: {  	s15 =	smov.u32 s2;
	p2 =	slt.s32 s13, s4  }
0x12: {  	s15 =	smov.u32 @p2 s13;
	p2 =	sne.s32 s12, s10  }
.Ltmp1:
0x13: {  	p1 =	slt.u32 s12, $0x2;
	(pc) =	sbr.rel @!p2 .LBB2_8-.Ltmp1, $4  }
0x14: {  	s14 =	simm.s32 @!p1 $0x3  }
0x15: {  	s16 =	sadd.s32 $0x1, s12;
	_ =	swait.ge @!p1 [sflag:s14], $0x8000  }
0x16: {  	p0 =	por !p0, !p0;
	s13 =	smov.u32 s11;
	[sflag:s14] =	ssyncset.done @!p1 $0x0  }
0x17: {  	s12 =	smov.u32 s16;
	s11 =	smov.u32 s15;
	[sflag:s14] =	ssyncadd.s32 @!p1 $0xFFFF8000  }
.LBB2_1:
0x18: {  	p1 =	sge.u32 s12, s8  }
0x19: {  	s14 =	sxor.u32 @!p1 $0xFFFFFFFF, s12  }
0x1a: {  	s31 =	sadd.s32 $0xFFFFFFFF, s12;
	s15 =	sshrl.u32 @!p1 s11, $0x3;
	s14 =	sshll.u32 @!p1 s14, $0x8  }
0x1b: {  	s16 =	sand.u32 @!p1 $0x7, s11;
	s15 =	sadd.s32 @!p1 s5, s15;
	s14 =	sand.u32 @!p1 $0x100, s14  }
0x1c: {  	[tilespmem:s14], [sflag:$0x2] =	stream.linear.gather @!p1 [hbm4b:s15+s16], $0x100, $0x38;
	[tilespmem:$0x10200] =	vst v63  }
0x1d: {  	p1 =	sge.u32 s31, s8  }
.Ltmp2:
0x1e: {  	_ = 	snop;
	(pc) =	sbr.rel @p1 .LBB2_7-.Ltmp2, $1  }
0x1f: {  	_ =	sdelay $0x3  }
0x20: {  	s14 =	simm.s32 $0x1  }
0x21: {  	_ =	swait.ge [sflag:s7], $0x100;
	s14 =	simm.s32 @!p0 $0x0  }
0x22: {  	[sflag:s7] =	ssyncset.done $0x0;
	s16 =	sshll.u32 s14, $0x8  }
0x23: {  	[sflag:s7] =	ssyncadd.s32 $0xFFFFFF00;
	s15 =	sadd.s32 $0x0, s16  }
0x24: {  	v0 =	vld.msk [tilespmem:s15+$0x0 ss:$0x1], $0xffff;
	_ =	sdelay $0x4  }
0x25: {  	vm2 =	vgt.s32 v0, $0x0  }
0x26: {  	v0 =	vnsel vm2, $0x0, v0  }
0x27: {  	v0 =	vmin.u32 v0, $0x23FF  }
0x28: {  	v0 =	vshll.u32 v0, $0x4;
	_ =	sdelay $0x2  }
0x29: {  	s14 =	sshll.u32 s14, $0xF  }
0x2a: {  	s14 =	sor.u32 $0x200, s14  }
0x2b: {  	[tilespmem:s14], [sflag:$0x1] =	stream.indirect_vreg.gather [hbm:s3], $0x80, v0, vm0, $0x38;
	[tilespmem:$0x10200] =	vst v63  }
0x2c: {  	s17 =	sadd.s32 $0x10, s16;
	s15 =	sadd.s32 $0x400, s14  }
0x2d: {  	[tilespmem:s15], [sflag:$0x1] =	stream.indirect_vreg.gather [hbm:s3], $0x80, v0, vm1, $0x38;
	[tilespmem:$0x10200] =	vst v63  }
0x2e: {  	s18 =	simm.s32 $0x80;
	v0 =	vld.msk [tilespmem:s17+$0x0 ss:$0x1], $0xffff;
	s17 =	smov.u32 s14  }
.LBB2_3:
0x2f: {  	p1 =	sne.s32 s18, $0x3C0;
	_ =	sdelay $0x4  }
0x30: {  	vm2 =	vgt.s32 v0, $0x0  }
0x31: {  	v0 =	vnsel vm2, $0x0, v0  }
0x32: {  	v0 =	vmin.u32 v0, $0x23FF  }
0x33: {  	v0 =	vshll.u32 v0, $0x4;
	_ =	sdelay $0x3  }
.Ltmp3:
0x34: {  	s19 =	sshra.s32 s18, $0x2;
	s17 =	sadd.s32 $0x800, s17;
	(pc) =	sbr.rel @p1 .LBB2_3-.Ltmp3, $4  }
0x35: {  	[tilespmem:s17], [sflag:$0x1] =	stream.indirect_vreg.gather [hbm:s3], $0x80, v0, vm0, $0x38;
	[tilespmem:$0x10200] =	vst v63  }
0x36: {  	s19 =	sadd.s32 s19, s16;
	s20 =	sadd.s32 $0x400, s17  }
0x37: {  	[tilespmem:s20], [sflag:$0x1] =	stream.indirect_vreg.gather [hbm:s3], $0x80, v0, vm1, $0x38;
	[tilespmem:$0x10200] =	vst v63  }
0x38: {  	s18 =	sadd.s32 $0x40, s18;
	v0 =	vld.msk [tilespmem:s19+$0x0 ss:$0x1], $0xffff  }
0x39: {  	_ =	sdelay $0x3  }
0x3a: {  	vm2 =	vgt.s32 v0, $0x0  }
0x3b: {  	v0 =	vnsel vm2, $0x0, v0  }
0x3c: {  	v0 =	vmin.u32 v0, $0x23FF  }
0x3d: {  	v0 =	vshll.u32 v0, $0x4;
	_ =	sdelay $0x3  }
0x3e: {  	s16 =	sadd.s32 $0x800, s17  }
0x3f: {  	[tilespmem:s16], [sflag:$0x1] =	stream.indirect_vreg.gather [hbm:s3], $0x80, v0, vm0, $0x38;
	[tilespmem:$0x10200] =	vst v63  }
0x40: {  	s16 =	sadd.s32 $0x400, s16  }
0x41: {  	[tilespmem:s16], [sflag:$0x1] =	stream.indirect_vreg.gather [hbm:s3], $0x80, v0, vm1, $0x38;
	[tilespmem:$0x10200] =	vst v63  }
0x42: {  	s13 =	sshll.u32 s13, $0x4;
	_ =	swait.ge [sflag:s6], $0x8000  }
0x43: {  	s13 =	sadd.s32 s13, s9;
	[sflag:s6] =	ssyncset.done $0x0  }
0x44: {  	s17 =	sadd.s32 $0x0, s13;
	s16 =	simm.s32 $0x80;
	[sflag:s6] =	ssyncadd.s32 $0xFFFF8000  }
.LBB2_5:
0x45: {  	[hbm:s17] =	stream.linear.scatter [tilespmem:s14], [sflag:$0x3], $0x400, $0x38;
	[tilespmem:$0x10200] =	vst v63  }
0x46: {  	s17 =	smov.u32 s16;
	s14 =	smov.u32 s15;
	p1 =	sne.s32 s16, $0xF80  }
.Ltmp4:
0x47: {  	s16 =	sadd.s32 $0x80, s16;
	(pc) =	sbr.rel @p1 .LBB2_5-.Ltmp4, $2  }
0x48: {  	_ =	sdelay $0x2  }
0x49: {  	s15 =	sadd.s32 $0x400, s15;
	s17 =	sadd.s32 s17, s13  }
.Ltmp5:
0x4a: {  	_ = 	snop;
	(pc) =	sbr.rel .LBB2_6-.Ltmp5, $1  }
0x4b: {  	_ =	sdelay $0x3  }
.LBB2_8:
0x4c: {  	_ =	sfence.sel $0x180000  }
0x4d: {  	s2 =	simm.s32 $0x2;
	[bflag:$0x0] =	sbarrier.arrive $0xFFFF  }
0x4e: {  	s30 =	simm.s32 $0x3;
	[sflag:s2] =	ssyncpa.u1 $0x1  }
0x4f: {  	s31 =	simm.s32 $0x1;
	[sflag:s30] =	ssyncpa.u1 $0x1  }
0x50: {  	[sflag:s31] =	ssyncpa.u1 $0x1  }
0x51: {  	p0 =	sne.s32 s0, $0x0;
	_ =	strace $0x90000047  }
0x52: {  	s0 =	sadd.s32 @!p0 $0x100000, s1;
	[bflag:$0x2] =	sbarrier.arrive $0xFFFF  }
0x53: {  	[sflag:s0] =	ssyncadd.tile.s32 @!p0 $0x1;
	_ =	shalt  }
.Lfunc_end2:
_tile_overlayer_lowered:
.L_overlay_start_2:
0x54: {  	(tag) =	ssettag $0x2  }
0x55: {  	s0 =	rddreg [dreg:$0x0];
	s2 =	stileid.u32  }
0x56: {  	s1 =	rddreg [dreg:$0x1];
	p0 =	sne.s32 s2, $0x0  }
0x57: {  	s3 =	rddreg [dreg:$0x2];
	[bflag:$0x3] =	sbarrier.arrive $0xFFFF;
	s2 =	simm.s32 @!p0 $0x1C01  }
0x58: {  	[timem:s3], [sflag:s2] =	dma.local @!p0 [hbm:s0], s1  }
0x59: {  	s0 =	simm.s32 @!p0 $0x1  }
0x5a: {  	_ =	swait.ge @!p0 [sflag:s0], s1  }
0x5b: {  	s1 =	ssub.s32 @!p0 $0x0, s1;
	[sflag:s0] =	ssyncset.done @!p0 $0x0  }
0x5c: {  	[sflag:s0] =	ssyncadd.s32 @!p0 s1  }
0x5d: {  	[bflag:$0x3] =	sbarrier.arrive $0xFFFF  }
0x5e: {  	_ =	shalt  }

</sc_bundles>
